<compile_context>
chip_gen: v7x
topology: tpu7x:2x2x1
jax: 0.10.2.dev20260603
libtpu: 0.0.44.dev20260713+nightly
codegen_flags: <defaults>
</compile_context>

<pallas_src>
import functools

import jax
import jax.numpy as jnp
import numpy as np
from jax import lax
from jax.experimental import pallas as pl
from jax.experimental.pallas import tpu as pltpu
from jax.experimental.pallas import tpu_sc as plsc

N = 10000
E = 160000
MUL0 = 16
MUL1 = 4
DIM = MUL0 + 3 * MUL1
RMH = 64
WEXP = 480
LDIM = 44
ODIM = 44

NW = 32
CHUNK = 125
NCHUNK = 40
ROWS_PER_TILE = N // 16

BLK_E = 3200


FDIM = 112


def _build_consts():
    c_w1 = 1.0 / (4.0 * np.sqrt(2.0))
    c_w2 = 1.0 / (np.sqrt(3.0) * 2.0 * np.sqrt(2.0))
    c_w3 = 1.0 / (4.0 * np.sqrt(3.0))
    c_w4 = 1.0 / (2.0 * np.sqrt(3.0))
    c_w5 = 1.0 / (2.0 * np.sqrt(6.0))
    Rtile = np.zeros((32, FDIM), np.float32)
    Rrep = np.zeros((4, FDIM), np.float32)
    for kp in range(4):
        for c in range(DIM):
            Rtile[c, 28 * kp + c] = 1.0
            Rrep[kp, 28 * kp + c] = 1.0
    R112 = np.zeros((FDIM, WEXP), np.float32)
    BigS = np.zeros((WEXP, 32), np.float32)
    wscale = np.zeros((WEXP,), np.float32)
    wscale[0:256] = c_w1
    wscale[256:320] = c_w2
    wscale[320:384] = c_w3
    wscale[384:432] = c_w4
    wscale[432:480] = c_w5
    for i in range(16):
        for o in range(16):
            R112[i, 16 * i + o] = 1.0
            BigS[16 * i + o, o] = 1.0
        for v in range(4):
            R112[i, 320 + 4 * i + v] = 1.0
            BigS[320 + 4 * i + v, 28 + v] = 1.0
    for u in range(4):
        for o in range(16):
            for k in range(3):
                R112[28 * (k + 1) + 16 + 3 * u + k, 256 + 16 * u + o] = 1.0
            BigS[256 + 16 * u + o, o] = 1.0
    for k in range(3):
        a, b = (k + 1) % 3, (k + 2) % 3
        for u in range(4):
            for v in range(4):
                R112[16 + 3 * u + k, 384 + 16 * k + 4 * u + v] = 1.0
                BigS[384 + 16 * k + 4 * u + v, 16 + 3 * v + k] = 1.0
                R112[28 * (b + 1) + 16 + 3 * u + a, 432 + 16 * k + 4 * u + v] = 1.0
                R112[28 * (a + 1) + 16 + 3 * u + b, 432 + 16 * k + 4 * u + v] = -1.0
                BigS[432 + 16 * k + 4 * u + v, 16 + 3 * v + k] = 1.0
    Rsv32 = np.zeros((32, 32), np.float32)
    Ryk32 = np.zeros((4, 32), np.float32)
    for v in range(4):
        for k in range(3):
            Rsv32[28 + v, 16 + 3 * v + k] = 1.0
            Ryk32[1 + k, 16 + 3 * v + k] = 1.0
    mask32 = np.ones((1, 32), np.float32)
    mask32[0, 28:] = 0.0
    return Rtile, Rrep, R112, BigS, Rsv32, Ryk32, mask32, wscale


(_Rtile, _Rrep, _R112, _BigS, _Rsv32, _Ryk32, _mask32,
 _wscale) = _build_consts()

NBUF = 4


def _sc_gather_body(h_hbm, idx_hbm, out_hbm, idx_v,
                    buf0, buf1, buf2, buf3,
                    gs0, gs1, gs2, gs3, ws0, ws1, ws2, ws3):
    wid = lax.axis_index("s") * 2 + lax.axis_index("c")
    base = wid * (NCHUNK * CHUNK)
    pltpu.sync_copy(idx_hbm.at[wid], idx_v)
    bufs = (buf0, buf1, buf2, buf3)
    gsems = (gs0, gs1, gs2, gs3)
    wsems = (ws0, ws1, ws2, ws3)
    for b in range(NBUF):
        pltpu.async_copy(h_hbm.at[idx_v.at[b]], bufs[b], gsems[b])

    def body(jo, _):
        for b in range(NBUF):
            j = jo * NBUF + b
            pltpu.make_async_copy(
                h_hbm.at[idx_v.at[j]], bufs[b], gsems[b]).wait()
            pltpu.async_copy(
                bufs[b], out_hbm.at[pl.ds(base + j * CHUNK, CHUNK)], wsems[b])

            @pl.when(j + NBUF < NCHUNK)
            def _():
                pltpu.make_async_copy(
                    bufs[b], out_hbm.at[pl.ds(base, CHUNK)], wsems[b]).wait()
                pltpu.async_copy(h_hbm.at[idx_v.at[j + NBUF]], bufs[b],
                                 gsems[b])
        return 0

    lax.fori_loop(0, NCHUNK // NBUF, body, 0)
    for b in range(NBUF):
        pltpu.make_async_copy(
            bufs[b], out_hbm.at[pl.ds(base, CHUNK)], wsems[b]).wait()


def _sc_scatter_body(msg_hbm, idx_hbm, zero_hbm, out_hbm,
                     idx_v, buf0, buf1, agg_sh, sem0, sem1):
    cid = lax.axis_index("c")
    sid = lax.axis_index("s")
    wid = sid * 2 + cid
    base = wid * (NCHUNK * CHUNK)
    pltpu.sync_copy(zero_hbm.at[pl.ds(sid * ROWS_PER_TILE, ROWS_PER_TILE)],
                    agg_sh.at[pl.ds(sid * ROWS_PER_TILE, ROWS_PER_TILE)])
    pltpu.sync_copy(idx_hbm.at[wid], idx_v)
    plsc.subcore_barrier()
    bufs = (buf0, buf1)
    sems = (sem0, sem1)
    pltpu.async_copy(msg_hbm.at[pl.ds(base, CHUNK)], buf0, sem0)

    def body(j, _):
        slot = lax.rem(j, 2)

        @pl.when(j + 1 < NCHUNK)
        def _():
            for s in range(2):
                @pl.when(slot != s)
                def _():
                    pltpu.async_copy(
                        msg_hbm.at[pl.ds(base + (j + 1) * CHUNK, CHUNK)],
                        bufs[s], sems[s])

        for s in range(2):
            @pl.when(slot == s)
            def _():
                pltpu.make_async_copy(
                    msg_hbm.at[pl.ds(base + j * CHUNK, CHUNK)],
                    bufs[s], sems[s]).wait()
                pltpu.sync_copy(bufs[s], agg_sh.at[idx_v.at[j]], add=True)
        return 0

    lax.fori_loop(0, NCHUNK, body, 0)
    plsc.subcore_barrier()
    pltpu.sync_copy(agg_sh.at[pl.ds(sid * ROWS_PER_TILE, ROWS_PER_TILE)],
                    out_hbm.at[cid, pl.ds(sid * ROWS_PER_TILE, ROWS_PER_TILE)])


@functools.cache
def _make_sc_kernels():
    mesh = plsc.VectorSubcoreMesh(core_axis_name="c", subcore_axis_name="s")
    params = pltpu.CompilerParams(use_tc_tiling_on_sc=False)
    gather = pl.kernel(
        _sc_gather_body,
        out_type=jax.ShapeDtypeStruct((E, 32), jnp.float32),
        mesh=mesh,
        compiler_params=params,
        scratch_types=(
            [pltpu.VMEM((NCHUNK, CHUNK), jnp.int32)]
            + [pltpu.VMEM((CHUNK, 32), jnp.float32)] * NBUF
            + [pltpu.SemaphoreType.DMA] * (2 * NBUF)
        ),
    )
    scatter = pl.kernel(
        _sc_scatter_body,
        out_type=jax.ShapeDtypeStruct((2, N, 32), jnp.float32),
        mesh=mesh,
        compiler_params=params,
        scratch_types=[
            pltpu.VMEM((NCHUNK, CHUNK), jnp.int32),
            pltpu.VMEM((CHUNK, 32), jnp.float32),
            pltpu.VMEM((CHUNK, 32), jnp.float32),
            pltpu.VMEM_SHARED((N, 32), jnp.float32),
            pltpu.SemaphoreType.DMA,
            pltpu.SemaphoreType.DMA,
        ],
    )
    return gather, scatter


def _tp_body(ev_ref, elen_ref, xg_ref, W1_ref, b1_ref, W2_ref,
             Rtile_ref, Rrep_ref, R112_ref, BigS_ref, Rsv_ref, Ryk_ref,
             mask_ref, out_ref):
    f32 = jnp.float32
    dn_t = (((0,), (0,)), ((), ()))
    evT = ev_ref[...]
    lenT = elen_ref[...]
    xg = xg_ref[...]
    r2 = jnp.sum(evT * evT, axis=0, keepdims=True)
    inv = np.float32(np.sqrt(3.0)) / jnp.maximum(jnp.sqrt(r2), 1e-12)
    y1eT = jnp.concatenate([jnp.ones_like(lenT), evT * inv], axis=0)
    bf16 = jnp.bfloat16
    pre = lax.dot_general(lenT, W1_ref[...], dn_t,
                          preferred_element_type=f32) + b1_ref[...]
    hid = pre * jax.nn.sigmoid(pre)
    wexp = jnp.dot(hid.astype(bf16), W2_ref[...],
                   preferred_element_type=f32)
    xgrep = jnp.dot(xg, Rtile_ref[...], preferred_element_type=f32)
    Y = lax.dot_general(y1eT, Rrep_ref[...], dn_t,
                        preferred_element_type=f32)
    F = xgrep * Y
    Lexp = jnp.dot(F.astype(bf16), R112_ref[...],
                   preferred_element_type=f32)
    OUT = jnp.dot((Lexp * wexp).astype(bf16), BigS_ref[...],
                  preferred_element_type=f32)
    souter = (jnp.dot(OUT, Rsv_ref[...], preferred_element_type=f32)
              * lax.dot_general(y1eT, Ryk_ref[...], dn_t,
                                preferred_element_type=f32))
    out_ref[...] = OUT * mask_ref[...] + souter


def _gate_body(h_ref, part_ref, Wg_ref, bg_ref, out_ref):
    h = h_ref[...]
    agg = part_ref[0] + part_ref[1]
    gate = jax.nn.sigmoid(
        jnp.dot(h[:, :MUL0], Wg_ref[...], preferred_element_type=jnp.float32)
        + bg_ref[...])
    out_ref[...] = h + jnp.concatenate(
        [agg[:, :MUL0], agg[:, MUL0:DIM] * gate], axis=1)


def _full(shape):
    return pl.BlockSpec(shape, lambda i: tuple(0 for _ in shape))


@jax.jit
def kernel(h, edge_index, edge_vec, edge_len, W1, b1, W2, b2, Wg, bg):
    sender = edge_index[0]
    receiver = edge_index[1]
    sp = sender.reshape(NW, NCHUNK, CHUNK)
    rp = receiver.reshape(NW, NCHUNK, CHUNK)
    h32 = jnp.pad(h, ((0, 0), (0, 32 - DIM)))
    evT = edge_vec.T
    elT = edge_len.reshape(1, E)
    zero_init = jnp.zeros((N, 32), jnp.float32)
    wsc = jnp.asarray(_wscale)
    W2e = jnp.concatenate([W2[:, :384], W2[:, 384:400], W2[:, 384:400],
                           W2[:, 384:400], W2[:, 400:416], W2[:, 400:416],
                           W2[:, 400:416]], axis=1) * wsc
    b2e = jnp.concatenate([b2[:384], b2[384:400], b2[384:400], b2[384:400],
                           b2[400:416], b2[400:416], b2[400:416]]) * wsc
    silu20 = 20.0 / (1.0 + np.exp(-20.0))
    W2eb = jnp.concatenate(
        [W2e, b2e.reshape(1, WEXP) / silu20,
         jnp.zeros((7, WEXP), jnp.float32)], axis=0).astype(jnp.bfloat16)
    W1e = jnp.concatenate([W1, jnp.zeros((1, 8), jnp.float32)], axis=1)
    b1e = jnp.concatenate(
        [b1, jnp.full((8,), 20.0, jnp.float32)]).reshape(1, RMH + 8)

    sc_gather, sc_scatter = _make_sc_kernels()
    xg = sc_gather(h32, sp)

    grid = E // BLK_E
    msg = pl.pallas_call(
        _tp_body,
        grid=(grid,),
        in_specs=[
            pl.BlockSpec((3, BLK_E), lambda i: (0, i)),
            pl.BlockSpec((1, BLK_E), lambda i: (0, i)),
            pl.BlockSpec((BLK_E, 32), lambda i: (i, 0)),
            _full((1, RMH + 8)), _full((1, RMH + 8)),
            _full((RMH + 8, WEXP)), _full((32, FDIM)), _full((4, FDIM)),
            _full((FDIM, WEXP)), _full((WEXP, 32)), _full((32, 32)),
            _full((4, 32)), _full((1, 32)),
        ],
        out_specs=pl.BlockSpec((BLK_E, 32), lambda i: (i, 0)),
        out_shape=jax.ShapeDtypeStruct((E, 32), jnp.float32),
    )(evT, elT, xg,
      W1e, b1e, W2eb,
      jnp.asarray(_Rtile), jnp.asarray(_Rrep),
      jnp.asarray(_R112).astype(jnp.bfloat16),
      jnp.asarray(_BigS).astype(jnp.bfloat16),
      jnp.asarray(_Rsv32), jnp.asarray(_Ryk32),
      jnp.asarray(_mask32))

    parts = sc_scatter(msg, rp, zero_init)

    out = pl.pallas_call(
        _gate_body,
        grid=(1,),
        in_specs=[
            _full((N, DIM)), _full((2, N, 32)),
            _full((MUL0, DIM - MUL0)), _full((1, DIM - MUL0)),
        ],
        out_specs=_full((N, DIM)),
        out_shape=jax.ShapeDtypeStruct((N, DIM), jnp.float32),
    )(h, parts, Wg, bg.reshape(1, DIM - MUL0))
    return out

# --- scband reference (transcript-rebuilt; emitter-appended) ---
"""Pipeline reference for scband-equivariant-mix-block-46205258170438 (READ-ONLY COPY).

The authoritative reference and input builder live on the scoring server;
editing this copy changes nothing except your own understanding.
"""

import jax, jax.numpy as jnp
import numpy as np

N = 10000
E = 160000
MUL0 = 16   # scalar (0e) multiplicity == hidden_dim
MUL1 = 4    # vector (1o) multiplicity
DIM = MUL0 + 3 * MUL1  # 28
RMH = 64    # radial_mlp_hidden
# FullyConnectedTensorProduct('16x0e+4x1o', '1x0e+1x1o', '16x0e+4x1o') paths:
# 0e*0e->0e, 1o*1o->0e, 0e*1o->1o, 1o*0e->1o, 1o*1o->1o
W_SIZES = [MUL0 * MUL0, MUL1 * MUL0, MUL0 * MUL1, MUL1 * MUL1, MUL1 * MUL1]
WNUM = sum(W_SIZES)  # 416
_OFFS = np.cumsum([0] + W_SIZES)


def _tensor_product(x, sh, w):
    x0 = x[:, :MUL0]
    x1 = x[:, MUL0:].reshape(-1, MUL1, 3)
    y0 = sh[:, :1]
    y1 = sh[:, 1:4]
    w1 = w[:, _OFFS[0]:_OFFS[1]].reshape(-1, MUL0, MUL0)
    w2 = w[:, _OFFS[1]:_OFFS[2]].reshape(-1, MUL1, MUL0)
    w3 = w[:, _OFFS[2]:_OFFS[3]].reshape(-1, MUL0, MUL1)
    w4 = w[:, _OFFS[3]:_OFFS[4]].reshape(-1, MUL1, MUL1)
    w5 = w[:, _OFFS[4]:_OFFS[5]].reshape(-1, MUL1, MUL1)
    # scalar outputs (0e): 0e x 0e and 1o . 1o
    p1 = jnp.einsum('ei,eio->eo', x0 * y0, w1) / jnp.sqrt(float(MUL0))
    dot = jnp.einsum('euk,ek->eu', x1, y1) / jnp.sqrt(3.0)
    p2 = jnp.einsum('eu,euo->eo', dot, w2) / jnp.sqrt(float(MUL1))
    out0 = (p1 + p2) / jnp.sqrt(2.0)
    # vector outputs (1o): 0e x 1o, 1o x 0e, 1o cross 1o
    q1 = jnp.einsum('ei,ek,eiv->evk', x0, y1, w3) / jnp.sqrt(float(MUL0))
    q2 = jnp.einsum('euk,euv->evk', x1 * y0[:, :, None], w4) / jnp.sqrt(float(MUL1))
    cross = jnp.cross(x1, jnp.broadcast_to(y1[:, None, :], x1.shape)) / jnp.sqrt(2.0)
    q3 = jnp.einsum('euk,euv->evk', cross, w5) / jnp.sqrt(float(MUL1))
    out1 = (q1 + q2 + q3) / jnp.sqrt(3.0)
    return jnp.concatenate([out0, out1.reshape(-1, 3 * MUL1)], axis=-1)


def setup_inputs(seed: int = 0) -> dict:
    key = jax.random.key(seed)
    ks = jax.random.split(key, 10)
    h = jax.random.normal(ks[0], (N, DIM), dtype=jnp.float32)
    edge_index = jax.random.randint(ks[1], (2, E), 0, N, dtype=jnp.int32)
    edge_vec = jax.random.normal(ks[2], (E, 3), dtype=jnp.float32)
    edge_len = jax.random.uniform(ks[3], (E,), dtype=jnp.float32)
    W1 = jax.random.normal(ks[4], (1, RMH), dtype=jnp.float32)
    b1 = jnp.zeros((RMH,), dtype=jnp.float32)
    W2 = jax.random.normal(ks[5], (RMH, WNUM), dtype=jnp.float32) / np.sqrt(RMH)
    b2 = jnp.zeros((WNUM,), dtype=jnp.float32)
    Wg = jax.random.normal(ks[6], (MUL0, DIM - MUL0), dtype=jnp.float32) / np.sqrt(MUL0)
    bg = jnp.zeros((DIM - MUL0,), dtype=jnp.float32)
    return {"h": h, "edge_index": edge_index, "edge_vec": edge_vec, "edge_len": edge_len,
            "W1": W1, "b1": b1, "W2": W2, "b2": b2, "Wg": Wg, "bg": bg}


def reference(h, edge_index, edge_vec, edge_len, W1, b1, W2, b2, Wg, bg):
    sender = edge_index[0]
    receiver = edge_index[1]
    # spherical harmonics l_max=1, normalize=True, 'component' normalization
    r = jnp.linalg.norm(edge_vec, axis=-1, keepdims=True)
    unit = edge_vec / jnp.maximum(r, 1e-12)
    sh = jnp.concatenate([jnp.ones((edge_vec.shape[0], 1), edge_vec.dtype),
                          jnp.sqrt(3.0) * unit], axis=-1)
    # radial MLP: Linear(1,RMH) -> SiLU -> Linear(RMH, weight_numel)
    hid = jax.nn.silu(edge_len[:, None] @ W1 + b1)
    weights = hid @ W2 + b2
    # gather source features, tensor product message
    msg = _tensor_product(h[sender], sh, weights)
    # scatter-add to receivers
    agg = jnp.zeros_like(h).at[receiver].add(msg)
    scalars = agg[:, :MUL0]
    rest = agg[:, MUL0:]
    gate = jax.nn.sigmoid(h[:, :MUL0] @ Wg + bg)
    rest = rest * gate
    agg = jnp.concatenate([scalars, rest], axis=-1)
    return h + agg

if __name__ == "__main__":
    import jax
    _d = setup_inputs()
    print(jax.jit(kernel)(*tuple(_d.values())))

</pallas_src>

<mosaic_0001>
#map = affine_map<(d0, d1) -> (0, 0)>
#map1 = affine_map<(d0, d1) -> (0, 0, 0)>
module attributes {stable_mosaic.version = 14 : i64} {
  func.func @_sc_gather_body(%arg0: i32, %arg1: i32, %arg2: memref<10000x32xf32, #tpu.memory_space<hbm>>, %arg3: memref<32x40x125xi32, #tpu.memory_space<hbm>>, %arg4: memref<160000x32xf32, #tpu.memory_space<hbm>>, %arg5: memref<40x125xi32, #tpu.memory_space<vmem>>, %arg6: memref<125x32xf32, #tpu.memory_space<vmem>>, %arg7: memref<125x32xf32, #tpu.memory_space<vmem>>, %arg8: memref<125x32xf32, #tpu.memory_space<vmem>>, %arg9: memref<125x32xf32, #tpu.memory_space<vmem>>, %arg10: memref<!tpu.dma_semaphore, #tpu.memory_space<semaphore_mem>>, %arg11: memref<!tpu.dma_semaphore, #tpu.memory_space<semaphore_mem>>, %arg12: memref<!tpu.dma_semaphore, #tpu.memory_space<semaphore_mem>>, %arg13: memref<!tpu.dma_semaphore, #tpu.memory_space<semaphore_mem>>, %arg14: memref<!tpu.dma_semaphore, #tpu.memory_space<semaphore_mem>>, %arg15: memref<!tpu.dma_semaphore, #tpu.memory_space<semaphore_mem>>, %arg16: memref<!tpu.dma_semaphore, #tpu.memory_space<semaphore_mem>>, %arg17: memref<!tpu.dma_semaphore, #tpu.memory_space<semaphore_mem>>) attributes {dimension_semantics = [#tpu.dimension_semantics<core_parallel>, #tpu.dimension_semantics<subcore_parallel>], iteration_bounds = array<i64: 2, 16>, scalar_prefetch = 0 : i64, scratch_operands = 13 : i64, tpu.core_type = #tpu.core_type<sc_vector_subcore>, window_params = [{transform_indices = #map}, {transform_indices = #map1}, {transform_indices = #map}]} {
    %mul3A = arith.constant 2 : i32
    %mul3A_0 = arith.muli %arg1, %mul3A : i32
    %add3A = arith.addi %mul3A_0, %arg0 : i32
    %mul3A_1 = arith.constant 5000 : i32
    %mul3A_2 = arith.muli %add3A, %mul3A_1 : i32
    "tpu.region"() ({
      %run_scoped3A = tpu.sem_alloc : memref<!tpu.dma_semaphore, #tpu.memory_space<semaphore_mem>>
      %dma_start3A_51 = arith.constant 0 : i32
      %dma_start3A_52 = arith.constant 0 : i32
      %dma_start3A_53 = tpu.memref_slice %arg3[%add3A, %dma_start3A_51, %dma_start3A_52] : memref<32x40x125xi32, #tpu.memory_space<hbm>> -> memref<1x40x125xi32, #tpu.memory_space<hbm>>
      %dma_start3A_54 = tpu.memref_squeeze %dma_start3A_53 : memref<1x40x125xi32, #tpu.memory_space<hbm>> -> memref<40x125xi32, #tpu.memory_space<hbm>>
      %dma_start3A_55 = arith.constant 0 : i32
      %dma_start3A_56 = arith.constant 0 : i32
      %dma_start3A_57 = tpu.memref_slice %arg3[%add3A, %dma_start3A_55, %dma_start3A_56] : memref<32x40x125xi32, #tpu.memory_space<hbm>> -> memref<1x40x125xi32, #tpu.memory_space<hbm>>
      %dma_start3A_58 = tpu.memref_squeeze %dma_start3A_57 : memref<1x40x125xi32, #tpu.memory_space<hbm>> -> memref<40x125xi32, #tpu.memory_space<hbm>>
      tpu.enqueue_dma source(%dma_start3A_58 : memref<40x125xi32, #tpu.memory_space<hbm>>) target(%arg5 : memref<40x125xi32, #tpu.memory_space<vmem>>) target_semaphore(%run_scoped3A : memref<!tpu.dma_semaphore, #tpu.memory_space<semaphore_mem>>)
      %dma_wait3A_59 = arith.constant 0 : i32
      %dma_wait3A_60 = arith.constant 0 : i32
      %dma_wait3A_61 = tpu.memref_slice %arg3[%add3A, %dma_wait3A_59, %dma_wait3A_60] : memref<32x40x125xi32, #tpu.memory_space<hbm>> -> memref<1x40x125xi32, #tpu.memory_space<hbm>>
      %dma_wait3A_62 = tpu.memref_squeeze %dma_wait3A_61 : memref<1x40x125xi32, #tpu.memory_space<hbm>> -> memref<40x125xi32, #tpu.memory_space<hbm>>
      %dma_wait3A_63 = arith.constant 0 : i32
      %dma_wait3A_64 = arith.constant 0 : i32
      %dma_wait3A_65 = tpu.memref_slice %arg3[%add3A, %dma_wait3A_63, %dma_wait3A_64] : memref<32x40x125xi32, #tpu.memory_space<hbm>> -> memref<1x40x125xi32, #tpu.memory_space<hbm>>
      %dma_wait3A_66 = tpu.memref_squeeze %dma_wait3A_65 : memref<1x40x125xi32, #tpu.memory_space<hbm>> -> memref<40x125xi32, #tpu.memory_space<hbm>>
      tpu.wait_dma2 semaphore(%run_scoped3A : memref<!tpu.dma_semaphore, #tpu.memory_space<semaphore_mem>>) src(%dma_wait3A_66 : memref<40x125xi32, #tpu.memory_space<hbm>>) dst(%arg5 : memref<40x125xi32, #tpu.memory_space<vmem>>)
      tpu.yield
    }) : () -> ()
    %dma_start3A = arith.constant 0 : i32
    %dma_start3A_3 = arith.constant 0 : i32
    %dma_start3A_4 = tpu.memref_slice %arg5[%dma_start3A, %dma_start3A_3] : memref<40x125xi32, #tpu.memory_space<vmem>> -> memref<1x125xi32, #tpu.memory_space<vmem>>
    %dma_start3A_5 = tpu.memref_squeeze %dma_start3A_4 : memref<1x125xi32, #tpu.memory_space<vmem>> -> memref<125xi32, #tpu.memory_space<vmem>>
    %dma_start3A_6 = arith.constant 0 : i32
    %dma_start3A_7 = arith.constant 0 : i32
    %dma_start3A_8 = tpu.memref_slice %arg2[%dma_start3A_6, %dma_start3A_7] : memref<10000x32xf32, #tpu.memory_space<hbm>> -> memref<10000x32xf32, #tpu.memory_space<hbm>>
    tpu.enqueue_indirect_dma source(%dma_start3A_8 : memref<10000x32xf32, #tpu.memory_space<hbm>>) target(%arg6 : memref<125x32xf32, #tpu.memory_space<vmem>>) offsets(%dma_start3A_5 : memref<125xi32, #tpu.memory_space<vmem>>) semaphore(%arg10 : memref<!tpu.dma_semaphore, #tpu.memory_space<semaphore_mem>>)
    %dma_start3A_9 = arith.constant 1 : i32
    %dma_start3A_10 = arith.constant 0 : i32
    %dma_start3A_11 = tpu.memref_slice %arg5[%dma_start3A_9, %dma_start3A_10] : memref<40x125xi32, #tpu.memory_space<vmem>> -> memref<1x125xi32, #tpu.memory_space<vmem>>
    %dma_start3A_12 = tpu.memref_squeeze %dma_start3A_11 : memref<1x125xi32, #tpu.memory_space<vmem>> -> memref<125xi32, #tpu.memory_space<vmem>>
    %dma_start3A_13 = arith.constant 0 : i32
    %dma_start3A_14 = arith.constant 0 : i32
    %dma_start3A_15 = tpu.memref_slice %arg2[%dma_start3A_13, %dma_start3A_14] : memref<10000x32xf32, #tpu.memory_space<hbm>> -> memref<10000x32xf32, #tpu.memory_space<hbm>>
    tpu.enqueue_indirect_dma source(%dma_start3A_15 : memref<10000x32xf32, #tpu.memory_space<hbm>>) target(%arg7 : memref<125x32xf32, #tpu.memory_space<vmem>>) offsets(%dma_start3A_12 : memref<125xi32, #tpu.memory_space<vmem>>) semaphore(%arg11 : memref<!tpu.dma_semaphore, #tpu.memory_space<semaphore_mem>>)
    %dma_start3A_16 = arith.constant 2 : i32
    %dma_start3A_17 = arith.constant 0 : i32
    %dma_start3A_18 = tpu.memref_slice %arg5[%dma_start3A_16, %dma_start3A_17] : memref<40x125xi32, #tpu.memory_space<vmem>> -> memref<1x125xi32, #tpu.memory_space<vmem>>
    %dma_start3A_19 = tpu.memref_squeeze %dma_start3A_18 : memref<1x125xi32, #tpu.memory_space<vmem>> -> memref<125xi32, #tpu.memory_space<vmem>>
    %dma_start3A_20 = arith.constant 0 : i32
    %dma_start3A_21 = arith.constant 0 : i32
    %dma_start3A_22 = tpu.memref_slice %arg2[%dma_start3A_20, %dma_start3A_21] : memref<10000x32xf32, #tpu.memory_space<hbm>> -> memref<10000x32xf32, #tpu.memory_space<hbm>>
    tpu.enqueue_indirect_dma source(%dma_start3A_22 : memref<10000x32xf32, #tpu.memory_space<hbm>>) target(%arg8 : memref<125x32xf32, #tpu.memory_space<vmem>>) offsets(%dma_start3A_19 : memref<125xi32, #tpu.memory_space<vmem>>) semaphore(%arg12 : memref<!tpu.dma_semaphore, #tpu.memory_space<semaphore_mem>>)
    %dma_start3A_23 = arith.constant 3 : i32
    %dma_start3A_24 = arith.constant 0 : i32
    %dma_start3A_25 = tpu.memref_slice %arg5[%dma_start3A_23, %dma_start3A_24] : memref<40x125xi32, #tpu.memory_space<vmem>> -> memref<1x125xi32, #tpu.memory_space<vmem>>
    %dma_start3A_26 = tpu.memref_squeeze %dma_start3A_25 : memref<1x125xi32, #tpu.memory_space<vmem>> -> memref<125xi32, #tpu.memory_space<vmem>>
    %dma_start3A_27 = arith.constant 0 : i32
    %dma_start3A_28 = arith.constant 0 : i32
    %dma_start3A_29 = tpu.memref_slice %arg2[%dma_start3A_27, %dma_start3A_28] : memref<10000x32xf32, #tpu.memory_space<hbm>> -> memref<10000x32xf32, #tpu.memory_space<hbm>>
    tpu.enqueue_indirect_dma source(%dma_start3A_29 : memref<10000x32xf32, #tpu.memory_space<hbm>>) target(%arg9 : memref<125x32xf32, #tpu.memory_space<vmem>>) offsets(%dma_start3A_26 : memref<125xi32, #tpu.memory_space<vmem>>) semaphore(%arg13 : memref<!tpu.dma_semaphore, #tpu.memory_space<semaphore_mem>>)
    %scan3A = arith.constant 0 : i32
    %scan3A_30 = arith.constant 0 : i32
    %scan3A_31 = arith.constant 10 : i32
    %scan3A_32 = arith.addi %scan3A_30, %scan3A_31 : i32
    %scan3A_33 = arith.constant 1 : i32
    %scan3A_34 = scf.for %scan3A_51 = %scan3A_30 to %scan3A_32 step %scan3A_33 iter_args(%scan3A_52 = %scan3A) -> (i32)  : i32 {
      %mul3A_53 = arith.constant 4 : i32
      %mul3A_54 = arith.muli %scan3A_51, %mul3A_53 : i32
      %add3A_55 = arith.constant 0 : i32
      %add3A_56 = arith.addi %mul3A_54, %add3A_55 : i32
      %dma_wait3A_57 = arith.constant 0 : i32
      %dma_wait3A_58 = tpu.memref_slice %arg5[%add3A_56, %dma_wait3A_57] : memref<40x125xi32, #tpu.memory_space<vmem>> -> memref<1x125xi32, #tpu.memory_space<vmem>>
      %dma_wait3A_59 = tpu.memref_squeeze %dma_wait3A_58 : memref<1x125xi32, #tpu.memory_space<vmem>> -> memref<125xi32, #tpu.memory_space<vmem>>
      %dma_wait3A_60 = arith.constant 0 : i32
      %dma_wait3A_61 = arith.constant 0 : i32
      %dma_wait3A_62 = tpu.memref_slice %arg2[%dma_wait3A_60, %dma_wait3A_61] : memref<10000x32xf32, #tpu.memory_space<hbm>> -> memref<10000x32xf32, #tpu.memory_space<hbm>>
      tpu.wait_indirect_dma semaphore(%arg10 : memref<!tpu.dma_semaphore, #tpu.memory_space<semaphore_mem>>) src(%dma_wait3A_62 : memref<10000x32xf32, #tpu.memory_space<hbm>>) dst(%arg6 : memref<125x32xf32, #tpu.memory_space<vmem>>)
      %mul3A_63 = arith.constant 125 : i32
      %mul3A_64 = arith.muli %add3A_56, %mul3A_63 : i32
      %add3A_65 = arith.addi %mul3A_2, %mul3A_64 : i32
      %dma_start3A_66 = arith.constant 0 : i32
      %dma_start3A_67 = tpu.memref_slice %arg4[%add3A_65, %dma_start3A_66] : memref<160000x32xf32, #tpu.memory_space<hbm>> -> memref<125x32xf32, #tpu.memory_space<hbm>>
      %dma_start3A_68 = arith.constant 0 : i32
      %dma_start3A_69 = tpu.memref_slice %arg4[%add3A_65, %dma_start3A_68] : memref<160000x32xf32, #tpu.memory_space<hbm>> -> memref<125x32xf32, #tpu.memory_space<hbm>>
      tpu.enqueue_dma source(%arg6 : memref<125x32xf32, #tpu.memory_space<vmem>>) target(%dma_start3A_69 : memref<125x32xf32, #tpu.memory_space<hbm>>) target_semaphore(%arg14 : memref<!tpu.dma_semaphore, #tpu.memory_space<semaphore_mem>>)
      %add3A_70 = arith.constant 4 : i32
      %add3A_71 = arith.addi %add3A_56, %add3A_70 : i32
      %lt3A = arith.constant 40 : i32
      %lt3A_72 = arith.cmpi slt, %add3A_71, %lt3A : i32
      %convert_element_type3A = arith.extui %lt3A_72 : i1 to i32
      %cond3A = arith.constant 0 : i32
      %cond3A_73 = arith.cmpi ne, %convert_element_type3A, %cond3A : i32
      scf.if %cond3A_73 {
        %dma_wait3A_147 = arith.constant 0 : i32
        %dma_wait3A_148 = tpu.memref_slice %arg4[%mul3A_2, %dma_wait3A_147] : memref<160000x32xf32, #tpu.memory_space<hbm>> -> memref<125x32xf32, #tpu.memory_space<hbm>>
        %dma_wait3A_149 = arith.constant 0 : i32
        %dma_wait3A_150 = tpu.memref_slice %arg4[%mul3A_2, %dma_wait3A_149] : memref<160000x32xf32, #tpu.memory_space<hbm>> -> memref<125x32xf32, #tpu.memory_space<hbm>>
        tpu.wait_dma2 semaphore(%arg14 : memref<!tpu.dma_semaphore, #tpu.memory_space<semaphore_mem>>) src(%arg6 : memref<125x32xf32, #tpu.memory_space<vmem>>) dst(%dma_wait3A_150 : memref<125x32xf32, #tpu.memory_space<hbm>>)
        %add3A_151 = arith.constant 4 : i32
        %add3A_152 = arith.addi %add3A_56, %add3A_151 : i32
        %dma_start3A_153 = arith.constant 0 : i32
        %dma_start3A_154 = tpu.memref_slice %arg5[%add3A_152, %dma_start3A_153] : memref<40x125xi32, #tpu.memory_space<vmem>> -> memref<1x125xi32, #tpu.memory_space<vmem>>
        %dma_start3A_155 = tpu.memref_squeeze %dma_start3A_154 : memref<1x125xi32, #tpu.memory_space<vmem>> -> memref<125xi32, #tpu.memory_space<vmem>>
        %dma_start3A_156 = arith.constant 0 : i32
        %dma_start3A_157 = arith.constant 0 : i32
        %dma_start3A_158 = tpu.memref_slice %arg2[%dma_start3A_156, %dma_start3A_157] : memref<10000x32xf32, #tpu.memory_space<hbm>> -> memref<10000x32xf32, #tpu.memory_space<hbm>>
        tpu.enqueue_indirect_dma source(%dma_start3A_158 : memref<10000x32xf32, #tpu.memory_space<hbm>>) target(%arg6 : memref<125x32xf32, #tpu.memory_space<vmem>>) offsets(%dma_start3A_155 : memref<125xi32, #tpu.memory_space<vmem>>) semaphore(%arg10 : memref<!tpu.dma_semaphore, #tpu.memory_space<semaphore_mem>>)
      } else {
      }
      %mul3A_74 = arith.constant 4 : i32
      %mul3A_75 = arith.muli %scan3A_51, %mul3A_74 : i32
      %add3A_76 = arith.constant 1 : i32
      %add3A_77 = arith.addi %mul3A_75, %add3A_76 : i32
      %dma_wait3A_78 = arith.constant 0 : i32
      %dma_wait3A_79 = tpu.memref_slice %arg5[%add3A_77, %dma_wait3A_78] : memref<40x125xi32, #tpu.memory_space<vmem>> -> memref<1x125xi32, #tpu.memory_space<vmem>>
      %dma_wait3A_80 = tpu.memref_squeeze %dma_wait3A_79 : memref<1x125xi32, #tpu.memory_space<vmem>> -> memref<125xi32, #tpu.memory_space<vmem>>
      %dma_wait3A_81 = arith.constant 0 : i32
      %dma_wait3A_82 = arith.constant 0 : i32
      %dma_wait3A_83 = tpu.memref_slice %arg2[%dma_wait3A_81, %dma_wait3A_82] : memref<10000x32xf32, #tpu.memory_space<hbm>> -> memref<10000x32xf32, #tpu.memory_space<hbm>>
      tpu.wait_indirect_dma semaphore(%arg11 : memref<!tpu.dma_semaphore, #tpu.memory_space<semaphore_mem>>) src(%dma_wait3A_83 : memref<10000x32xf32, #tpu.memory_space<hbm>>) dst(%arg7 : memref<125x32xf32, #tpu.memory_space<vmem>>)
      %mul3A_84 = arith.constant 125 : i32
      %mul3A_85 = arith.muli %add3A_77, %mul3A_84 : i32
      %add3A_86 = arith.addi %mul3A_2, %mul3A_85 : i32
      %dma_start3A_87 = arith.constant 0 : i32
      %dma_start3A_88 = tpu.memref_slice %arg4[%add3A_86, %dma_start3A_87] : memref<160000x32xf32, #tpu.memory_space<hbm>> -> memref<125x32xf32, #tpu.memory_space<hbm>>
      %dma_start3A_89 = arith.constant 0 : i32
      %dma_start3A_90 = tpu.memref_slice %arg4[%add3A_86, %dma_start3A_89] : memref<160000x32xf32, #tpu.memory_space<hbm>> -> memref<125x32xf32, #tpu.memory_space<hbm>>
      tpu.enqueue_dma source(%arg7 : memref<125x32xf32, #tpu.memory_space<vmem>>) target(%dma_start3A_90 : memref<125x32xf32, #tpu.memory_space<hbm>>) target_semaphore(%arg15 : memref<!tpu.dma_semaphore, #tpu.memory_space<semaphore_mem>>)
      %add3A_91 = arith.constant 4 : i32
      %add3A_92 = arith.addi %add3A_77, %add3A_91 : i32
      %lt3A_93 = arith.constant 40 : i32
      %lt3A_94 = arith.cmpi slt, %add3A_92, %lt3A_93 : i32
      %convert_element_type3A_95 = arith.extui %lt3A_94 : i1 to i32
      %cond3A_96 = arith.constant 0 : i32
      %cond3A_97 = arith.cmpi ne, %convert_element_type3A_95, %cond3A_96 : i32
      scf.if %cond3A_97 {
        %dma_wait3A_147 = arith.constant 0 : i32
        %dma_wait3A_148 = tpu.memref_slice %arg4[%mul3A_2, %dma_wait3A_147] : memref<160000x32xf32, #tpu.memory_space<hbm>> -> memref<125x32xf32, #tpu.memory_space<hbm>>
        %dma_wait3A_149 = arith.constant 0 : i32
        %dma_wait3A_150 = tpu.memref_slice %arg4[%mul3A_2, %dma_wait3A_149] : memref<160000x32xf32, #tpu.memory_space<hbm>> -> memref<125x32xf32, #tpu.memory_space<hbm>>
        tpu.wait_dma2 semaphore(%arg15 : memref<!tpu.dma_semaphore, #tpu.memory_space<semaphore_mem>>) src(%arg7 : memref<125x32xf32, #tpu.memory_space<vmem>>) dst(%dma_wait3A_150 : memref<125x32xf32, #tpu.memory_space<hbm>>)
        %add3A_151 = arith.constant 4 : i32
        %add3A_152 = arith.addi %add3A_77, %add3A_151 : i32
        %dma_start3A_153 = arith.constant 0 : i32
        %dma_start3A_154 = tpu.memref_slice %arg5[%add3A_152, %dma_start3A_153] : memref<40x125xi32, #tpu.memory_space<vmem>> -> memref<1x125xi32, #tpu.memory_space<vmem>>
        %dma_start3A_155 = tpu.memref_squeeze %dma_start3A_154 : memref<1x125xi32, #tpu.memory_space<vmem>> -> memref<125xi32, #tpu.memory_space<vmem>>
        %dma_start3A_156 = arith.constant 0 : i32
        %dma_start3A_157 = arith.constant 0 : i32
        %dma_start3A_158 = tpu.memref_slice %arg2[%dma_start3A_156, %dma_start3A_157] : memref<10000x32xf32, #tpu.memory_space<hbm>> -> memref<10000x32xf32, #tpu.memory_space<hbm>>
        tpu.enqueue_indirect_dma source(%dma_start3A_158 : memref<10000x32xf32, #tpu.memory_space<hbm>>) target(%arg7 : memref<125x32xf32, #tpu.memory_space<vmem>>) offsets(%dma_start3A_155 : memref<125xi32, #tpu.memory_space<vmem>>) semaphore(%arg11 : memref<!tpu.dma_semaphore, #tpu.memory_space<semaphore_mem>>)
      } else {
      }
      %mul3A_98 = arith.constant 4 : i32
      %mul3A_99 = arith.muli %scan3A_51, %mul3A_98 : i32
      %add3A_100 = arith.constant 2 : i32
      %add3A_101 = arith.addi %mul3A_99, %add3A_100 : i32
      %dma_wait3A_102 = arith.constant 0 : i32
      %dma_wait3A_103 = tpu.memref_slice %arg5[%add3A_101, %dma_wait3A_102] : memref<40x125xi32, #tpu.memory_space<vmem>> -> memref<1x125xi32, #tpu.memory_space<vmem>>
      %dma_wait3A_104 = tpu.memref_squeeze %dma_wait3A_103 : memref<1x125xi32, #tpu.memory_space<vmem>> -> memref<125xi32, #tpu.memory_space<vmem>>
      %dma_wait3A_105 = arith.constant 0 : i32
      %dma_wait3A_106 = arith.constant 0 : i32
      %dma_wait3A_107 = tpu.memref_slice %arg2[%dma_wait3A_105, %dma_wait3A_106] : memref<10000x32xf32, #tpu.memory_space<hbm>> -> memref<10000x32xf32, #tpu.memory_space<hbm>>
      tpu.wait_indirect_dma semaphore(%arg12 : memref<!tpu.dma_semaphore, #tpu.memory_space<semaphore_mem>>) src(%dma_wait3A_107 : memref<10000x32xf32, #tpu.memory_space<hbm>>) dst(%arg8 : memref<125x32xf32, #tpu.memory_space<vmem>>)
      %mul3A_108 = arith.constant 125 : i32
      %mul3A_109 = arith.muli %add3A_101, %mul3A_108 : i32
      %add3A_110 = arith.addi %mul3A_2, %mul3A_109 : i32
      %dma_start3A_111 = arith.constant 0 : i32
      %dma_start3A_112 = tpu.memref_slice %arg4[%add3A_110, %dma_start3A_111] : memref<160000x32xf32, #tpu.memory_space<hbm>> -> memref<125x32xf32, #tpu.memory_space<hbm>>
      %dma_start3A_113 = arith.constant 0 : i32
      %dma_start3A_114 = tpu.memref_slice %arg4[%add3A_110, %dma_start3A_113] : memref<160000x32xf32, #tpu.memory_space<hbm>> -> memref<125x32xf32, #tpu.memory_space<hbm>>
      tpu.enqueue_dma source(%arg8 : memref<125x32xf32, #tpu.memory_space<vmem>>) target(%dma_start3A_114 : memref<125x32xf32, #tpu.memory_space<hbm>>) target_semaphore(%arg16 : memref<!tpu.dma_semaphore, #tpu.memory_space<semaphore_mem>>)
      %add3A_115 = arith.constant 4 : i32
      %add3A_116 = arith.addi %add3A_101, %add3A_115 : i32
      %lt3A_117 = arith.constant 40 : i32
      %lt3A_118 = arith.cmpi slt, %add3A_116, %lt3A_117 : i32
      %convert_element_type3A_119 = arith.extui %lt3A_118 : i1 to i32
      %cond3A_120 = arith.constant 0 : i32
      %cond3A_121 = arith.cmpi ne, %convert_element_type3A_119, %cond3A_120 : i32
      scf.if %cond3A_121 {
        %dma_wait3A_147 = arith.constant 0 : i32
        %dma_wait3A_148 = tpu.memref_slice %arg4[%mul3A_2, %dma_wait3A_147] : memref<160000x32xf32, #tpu.memory_space<hbm>> -> memref<125x32xf32, #tpu.memory_space<hbm>>
        %dma_wait3A_149 = arith.constant 0 : i32
        %dma_wait3A_150 = tpu.memref_slice %arg4[%mul3A_2, %dma_wait3A_149] : memref<160000x32xf32, #tpu.memory_space<hbm>> -> memref<125x32xf32, #tpu.memory_space<hbm>>
        tpu.wait_dma2 semaphore(%arg16 : memref<!tpu.dma_semaphore, #tpu.memory_space<semaphore_mem>>) src(%arg8 : memref<125x32xf32, #tpu.memory_space<vmem>>) dst(%dma_wait3A_150 : memref<125x32xf32, #tpu.memory_space<hbm>>)
        %add3A_151 = arith.constant 4 : i32
        %add3A_152 = arith.addi %add3A_101, %add3A_151 : i32
        %dma_start3A_153 = arith.constant 0 : i32
        %dma_start3A_154 = tpu.memref_slice %arg5[%add3A_152, %dma_start3A_153] : memref<40x125xi32, #tpu.memory_space<vmem>> -> memref<1x125xi32, #tpu.memory_space<vmem>>
        %dma_start3A_155 = tpu.memref_squeeze %dma_start3A_154 : memref<1x125xi32, #tpu.memory_space<vmem>> -> memref<125xi32, #tpu.memory_space<vmem>>
        %dma_start3A_156 = arith.constant 0 : i32
        %dma_start3A_157 = arith.constant 0 : i32
        %dma_start3A_158 = tpu.memref_slice %arg2[%dma_start3A_156, %dma_start3A_157] : memref<10000x32xf32, #tpu.memory_space<hbm>> -> memref<10000x32xf32, #tpu.memory_space<hbm>>
        tpu.enqueue_indirect_dma source(%dma_start3A_158 : memref<10000x32xf32, #tpu.memory_space<hbm>>) target(%arg8 : memref<125x32xf32, #tpu.memory_space<vmem>>) offsets(%dma_start3A_155 : memref<125xi32, #tpu.memory_space<vmem>>) semaphore(%arg12 : memref<!tpu.dma_semaphore, #tpu.memory_space<semaphore_mem>>)
      } else {
      }
      %mul3A_122 = arith.constant 4 : i32
      %mul3A_123 = arith.muli %scan3A_51, %mul3A_122 : i32
      %add3A_124 = arith.constant 3 : i32
      %add3A_125 = arith.addi %mul3A_123, %add3A_124 : i32
      %dma_wait3A_126 = arith.constant 0 : i32
      %dma_wait3A_127 = tpu.memref_slice %arg5[%add3A_125, %dma_wait3A_126] : memref<40x125xi32, #tpu.memory_space<vmem>> -> memref<1x125xi32, #tpu.memory_space<vmem>>
      %dma_wait3A_128 = tpu.memref_squeeze %dma_wait3A_127 : memref<1x125xi32, #tpu.memory_space<vmem>> -> memref<125xi32, #tpu.memory_space<vmem>>
      %dma_wait3A_129 = arith.constant 0 : i32
      %dma_wait3A_130 = arith.constant 0 : i32
      %dma_wait3A_131 = tpu.memref_slice %arg2[%dma_wait3A_129, %dma_wait3A_130] : memref<10000x32xf32, #tpu.memory_space<hbm>> -> memref<10000x32xf32, #tpu.memory_space<hbm>>
      tpu.wait_indirect_dma semaphore(%arg13 : memref<!tpu.dma_semaphore, #tpu.memory_space<semaphore_mem>>) src(%dma_wait3A_131 : memref<10000x32xf32, #tpu.memory_space<hbm>>) dst(%arg9 : memref<125x32xf32, #tpu.memory_space<vmem>>)
      %mul3A_132 = arith.constant 125 : i32
      %mul3A_133 = arith.muli %add3A_125, %mul3A_132 : i32
      %add3A_134 = arith.addi %mul3A_2, %mul3A_133 : i32
      %dma_start3A_135 = arith.constant 0 : i32
      %dma_start3A_136 = tpu.memref_slice %arg4[%add3A_134, %dma_start3A_135] : memref<160000x32xf32, #tpu.memory_space<hbm>> -> memref<125x32xf32, #tpu.memory_space<hbm>>
      %dma_start3A_137 = arith.constant 0 : i32
      %dma_start3A_138 = tpu.memref_slice %arg4[%add3A_134, %dma_start3A_137] : memref<160000x32xf32, #tpu.memory_space<hbm>> -> memref<125x32xf32, #tpu.memory_space<hbm>>
      tpu.enqueue_dma source(%arg9 : memref<125x32xf32, #tpu.memory_space<vmem>>) target(%dma_start3A_138 : memref<125x32xf32, #tpu.memory_space<hbm>>) target_semaphore(%arg17 : memref<!tpu.dma_semaphore, #tpu.memory_space<semaphore_mem>>)
      %add3A_139 = arith.constant 4 : i32
      %add3A_140 = arith.addi %add3A_125, %add3A_139 : i32
      %lt3A_141 = arith.constant 40 : i32
      %lt3A_142 = arith.cmpi slt, %add3A_140, %lt3A_141 : i32
      %convert_element_type3A_143 = arith.extui %lt3A_142 : i1 to i32
      %cond3A_144 = arith.constant 0 : i32
      %cond3A_145 = arith.cmpi ne, %convert_element_type3A_143, %cond3A_144 : i32
      scf.if %cond3A_145 {
        %dma_wait3A_147 = arith.constant 0 : i32
        %dma_wait3A_148 = tpu.memref_slice %arg4[%mul3A_2, %dma_wait3A_147] : memref<160000x32xf32, #tpu.memory_space<hbm>> -> memref<125x32xf32, #tpu.memory_space<hbm>>
        %dma_wait3A_149 = arith.constant 0 : i32
        %dma_wait3A_150 = tpu.memref_slice %arg4[%mul3A_2, %dma_wait3A_149] : memref<160000x32xf32, #tpu.memory_space<hbm>> -> memref<125x32xf32, #tpu.memory_space<hbm>>
        tpu.wait_dma2 semaphore(%arg17 : memref<!tpu.dma_semaphore, #tpu.memory_space<semaphore_mem>>) src(%arg9 : memref<125x32xf32, #tpu.memory_space<vmem>>) dst(%dma_wait3A_150 : memref<125x32xf32, #tpu.memory_space<hbm>>)
        %add3A_151 = arith.constant 4 : i32
        %add3A_152 = arith.addi %add3A_125, %add3A_151 : i32
        %dma_start3A_153 = arith.constant 0 : i32
        %dma_start3A_154 = tpu.memref_slice %arg5[%add3A_152, %dma_start3A_153] : memref<40x125xi32, #tpu.memory_space<vmem>> -> memref<1x125xi32, #tpu.memory_space<vmem>>
        %dma_start3A_155 = tpu.memref_squeeze %dma_start3A_154 : memref<1x125xi32, #tpu.memory_space<vmem>> -> memref<125xi32, #tpu.memory_space<vmem>>
        %dma_start3A_156 = arith.constant 0 : i32
        %dma_start3A_157 = arith.constant 0 : i32
        %dma_start3A_158 = tpu.memref_slice %arg2[%dma_start3A_156, %dma_start3A_157] : memref<10000x32xf32, #tpu.memory_space<hbm>> -> memref<10000x32xf32, #tpu.memory_space<hbm>>
        tpu.enqueue_indirect_dma source(%dma_start3A_158 : memref<10000x32xf32, #tpu.memory_space<hbm>>) target(%arg9 : memref<125x32xf32, #tpu.memory_space<vmem>>) offsets(%dma_start3A_155 : memref<125xi32, #tpu.memory_space<vmem>>) semaphore(%arg13 : memref<!tpu.dma_semaphore, #tpu.memory_space<semaphore_mem>>)
      } else {
      }
      %scan3A_146 = arith.constant 0 : i32
      scf.yield %scan3A_146 : i32
    }
    %scan3A_35 = arith.constant 10 : i32
    %dma_wait3A = arith.constant 0 : i32
    %dma_wait3A_36 = tpu.memref_slice %arg4[%mul3A_2, %dma_wait3A] : memref<160000x32xf32, #tpu.memory_space<hbm>> -> memref<125x32xf32, #tpu.memory_space<hbm>>
    %dma_wait3A_37 = arith.constant 0 : i32
    %dma_wait3A_38 = tpu.memref_slice %arg4[%mul3A_2, %dma_wait3A_37] : memref<160000x32xf32, #tpu.memory_space<hbm>> -> memref<125x32xf32, #tpu.memory_space<hbm>>
    tpu.wait_dma2 semaphore(%arg14 : memref<!tpu.dma_semaphore, #tpu.memory_space<semaphore_mem>>) src(%arg6 : memref<125x32xf32, #tpu.memory_space<vmem>>) dst(%dma_wait3A_38 : memref<125x32xf32, #tpu.memory_space<hbm>>)
    %dma_wait3A_39 = arith.constant 0 : i32
    %dma_wait3A_40 = tpu.memref_slice %arg4[%mul3A_2, %dma_wait3A_39] : memref<160000x32xf32, #tpu.memory_space<hbm>> -> memref<125x32xf32, #tpu.memory_space<hbm>>
    %dma_wait3A_41 = arith.constant 0 : i32
    %dma_wait3A_42 = tpu.memref_slice %arg4[%mul3A_2, %dma_wait3A_41] : memref<160000x32xf32, #tpu.memory_space<hbm>> -> memref<125x32xf32, #tpu.memory_space<hbm>>
    tpu.wait_dma2 semaphore(%arg15 : memref<!tpu.dma_semaphore, #tpu.memory_space<semaphore_mem>>) src(%arg7 : memref<125x32xf32, #tpu.memory_space<vmem>>) dst(%dma_wait3A_42 : memref<125x32xf32, #tpu.memory_space<hbm>>)
    %dma_wait3A_43 = arith.constant 0 : i32
    %dma_wait3A_44 = tpu.memref_slice %arg4[%mul3A_2, %dma_wait3A_43] : memref<160000x32xf32, #tpu.memory_space<hbm>> -> memref<125x32xf32, #tpu.memory_space<hbm>>
    %dma_wait3A_45 = arith.constant 0 : i32
    %dma_wait3A_46 = tpu.memref_slice %arg4[%mul3A_2, %dma_wait3A_45] : memref<160000x32xf32, #tpu.memory_space<hbm>> -> memref<125x32xf32, #tpu.memory_space<hbm>>
    tpu.wait_dma2 semaphore(%arg16 : memref<!tpu.dma_semaphore, #tpu.memory_space<semaphore_mem>>) src(%arg8 : memref<125x32xf32, #tpu.memory_space<vmem>>) dst(%dma_wait3A_46 : memref<125x32xf32, #tpu.memory_space<hbm>>)
    %dma_wait3A_47 = arith.constant 0 : i32
    %dma_wait3A_48 = tpu.memref_slice %arg4[%mul3A_2, %dma_wait3A_47] : memref<160000x32xf32, #tpu.memory_space<hbm>> -> memref<125x32xf32, #tpu.memory_space<hbm>>
    %dma_wait3A_49 = arith.constant 0 : i32
    %dma_wait3A_50 = tpu.memref_slice %arg4[%mul3A_2, %dma_wait3A_49] : memref<160000x32xf32, #tpu.memory_space<hbm>> -> memref<125x32xf32, #tpu.memory_space<hbm>>
    tpu.wait_dma2 semaphore(%arg17 : memref<!tpu.dma_semaphore, #tpu.memory_space<semaphore_mem>>) src(%arg9 : memref<125x32xf32, #tpu.memory_space<vmem>>) dst(%dma_wait3A_50 : memref<125x32xf32, #tpu.memory_space<hbm>>)
    return
  }
}

#map = affine_map<(d0, d1) -> (0, 0)>
#map1 = affine_map<(d0, d1) -> (0, 0, 0)>
module attributes {stable_mosaic.version = 14 : i64} {
  func.func @_sc_scatter_body(%arg0: i32, %arg1: i32, %arg2: memref<160000x32xf32, #tpu.memory_space<hbm>>, %arg3: memref<32x40x125xi32, #tpu.memory_space<hbm>>, %arg4: memref<10000x32xf32, #tpu.memory_space<hbm>>, %arg5: memref<2x10000x32xf32, #tpu.memory_space<hbm>>, %arg6: memref<40x125xi32, #tpu.memory_space<vmem>>, %arg7: memref<125x32xf32, #tpu.memory_space<vmem>>, %arg8: memref<125x32xf32, #tpu.memory_space<vmem>>, %arg9: memref<10000x32xf32, #tpu.memory_space<vmem_shared>>, %arg10: memref<!tpu.dma_semaphore, #tpu.memory_space<semaphore_mem>>, %arg11: memref<!tpu.dma_semaphore, #tpu.memory_space<semaphore_mem>>) attributes {dimension_semantics = [#tpu.dimension_semantics<core_parallel>, #tpu.dimension_semantics<subcore_parallel>], iteration_bounds = array<i64: 2, 16>, scalar_prefetch = 0 : i64, scratch_operands = 6 : i64, tpu.core_type = #tpu.core_type<sc_vector_subcore>, window_params = [{transform_indices = #map}, {transform_indices = #map1}, {transform_indices = #map}, {transform_indices = #map1}]} {
    %mul3A = arith.constant 2 : i32
    %mul3A_0 = arith.muli %arg1, %mul3A : i32
    %add3A = arith.addi %mul3A_0, %arg0 : i32
    %mul3A_1 = arith.constant 5000 : i32
    %mul3A_2 = arith.muli %add3A, %mul3A_1 : i32
    %mul3A_3 = arith.constant 625 : i32
    %mul3A_4 = arith.muli %arg1, %mul3A_3 : i32
    %mul3A_5 = arith.constant 625 : i32
    %mul3A_6 = arith.muli %arg1, %mul3A_5 : i32
    "tpu.region"() ({
      %run_scoped3A = tpu.sem_alloc : memref<!tpu.dma_semaphore, #tpu.memory_space<semaphore_mem>>
      %dma_start3A_21 = arith.constant 0 : i32
      %dma_start3A_22 = tpu.memref_slice %arg9[%mul3A_6, %dma_start3A_21] : memref<10000x32xf32, #tpu.memory_space<vmem_shared>> -> memref<625x32xf32, #tpu.memory_space<vmem_shared>>
      %dma_start3A_23 = arith.constant 0 : i32
      %dma_start3A_24 = tpu.memref_slice %arg4[%mul3A_4, %dma_start3A_23] : memref<10000x32xf32, #tpu.memory_space<hbm>> -> memref<625x32xf32, #tpu.memory_space<hbm>>
      tpu.enqueue_dma source(%dma_start3A_24 : memref<625x32xf32, #tpu.memory_space<hbm>>) target(%dma_start3A_22 : memref<625x32xf32, #tpu.memory_space<vmem_shared>>) target_semaphore(%run_scoped3A : memref<!tpu.dma_semaphore, #tpu.memory_space<semaphore_mem>>)
      %dma_wait3A = arith.constant 0 : i32
      %dma_wait3A_25 = tpu.memref_slice %arg9[%mul3A_6, %dma_wait3A] : memref<10000x32xf32, #tpu.memory_space<vmem_shared>> -> memref<625x32xf32, #tpu.memory_space<vmem_shared>>
      %dma_wait3A_26 = arith.constant 0 : i32
      %dma_wait3A_27 = tpu.memref_slice %arg4[%mul3A_4, %dma_wait3A_26] : memref<10000x32xf32, #tpu.memory_space<hbm>> -> memref<625x32xf32, #tpu.memory_space<hbm>>
      tpu.wait_dma2 semaphore(%run_scoped3A : memref<!tpu.dma_semaphore, #tpu.memory_space<semaphore_mem>>) src(%dma_wait3A_27 : memref<625x32xf32, #tpu.memory_space<hbm>>) dst(%dma_wait3A_25 : memref<625x32xf32, #tpu.memory_space<vmem_shared>>)
      tpu.yield
    }) : () -> ()
    "tpu.region"() ({
      %run_scoped3A = tpu.sem_alloc : memref<!tpu.dma_semaphore, #tpu.memory_space<semaphore_mem>>
      %dma_start3A_21 = arith.constant 0 : i32
      %dma_start3A_22 = arith.constant 0 : i32
      %dma_start3A_23 = tpu.memref_slice %arg3[%add3A, %dma_start3A_21, %dma_start3A_22] : memref<32x40x125xi32, #tpu.memory_space<hbm>> -> memref<1x40x125xi32, #tpu.memory_space<hbm>>
      %dma_start3A_24 = tpu.memref_squeeze %dma_start3A_23 : memref<1x40x125xi32, #tpu.memory_space<hbm>> -> memref<40x125xi32, #tpu.memory_space<hbm>>
      %dma_start3A_25 = arith.constant 0 : i32
      %dma_start3A_26 = arith.constant 0 : i32
      %dma_start3A_27 = tpu.memref_slice %arg3[%add3A, %dma_start3A_25, %dma_start3A_26] : memref<32x40x125xi32, #tpu.memory_space<hbm>> -> memref<1x40x125xi32, #tpu.memory_space<hbm>>
      %dma_start3A_28 = tpu.memref_squeeze %dma_start3A_27 : memref<1x40x125xi32, #tpu.memory_space<hbm>> -> memref<40x125xi32, #tpu.memory_space<hbm>>
      tpu.enqueue_dma source(%dma_start3A_28 : memref<40x125xi32, #tpu.memory_space<hbm>>) target(%arg6 : memref<40x125xi32, #tpu.memory_space<vmem>>) target_semaphore(%run_scoped3A : memref<!tpu.dma_semaphore, #tpu.memory_space<semaphore_mem>>)
      %dma_wait3A = arith.constant 0 : i32
      %dma_wait3A_29 = arith.constant 0 : i32
      %dma_wait3A_30 = tpu.memref_slice %arg3[%add3A, %dma_wait3A, %dma_wait3A_29] : memref<32x40x125xi32, #tpu.memory_space<hbm>> -> memref<1x40x125xi32, #tpu.memory_space<hbm>>
      %dma_wait3A_31 = tpu.memref_squeeze %dma_wait3A_30 : memref<1x40x125xi32, #tpu.memory_space<hbm>> -> memref<40x125xi32, #tpu.memory_space<hbm>>
      %dma_wait3A_32 = arith.constant 0 : i32
      %dma_wait3A_33 = arith.constant 0 : i32
      %dma_wait3A_34 = tpu.memref_slice %arg3[%add3A, %dma_wait3A_32, %dma_wait3A_33] : memref<32x40x125xi32, #tpu.memory_space<hbm>> -> memref<1x40x125xi32, #tpu.memory_space<hbm>>
      %dma_wait3A_35 = tpu.memref_squeeze %dma_wait3A_34 : memref<1x40x125xi32, #tpu.memory_space<hbm>> -> memref<40x125xi32, #tpu.memory_space<hbm>>
      tpu.wait_dma2 semaphore(%run_scoped3A : memref<!tpu.dma_semaphore, #tpu.memory_space<semaphore_mem>>) src(%dma_wait3A_35 : memref<40x125xi32, #tpu.memory_space<hbm>>) dst(%arg6 : memref<40x125xi32, #tpu.memory_space<vmem>>)
      tpu.yield
    }) : () -> ()
    %barrier3A = arith.constant 0 : index
    tpu.barrier barrier_id(%barrier3A)
    %dma_start3A = arith.constant 0 : i32
    %dma_start3A_7 = tpu.memref_slice %arg2[%mul3A_2, %dma_start3A] : memref<160000x32xf32, #tpu.memory_space<hbm>> -> memref<125x32xf32, #tpu.memory_space<hbm>>
    %dma_start3A_8 = arith.constant 0 : i32
    %dma_start3A_9 = tpu.memref_slice %arg2[%mul3A_2, %dma_start3A_8] : memref<160000x32xf32, #tpu.memory_space<hbm>> -> memref<125x32xf32, #tpu.memory_space<hbm>>
    tpu.enqueue_dma source(%dma_start3A_9 : memref<125x32xf32, #tpu.memory_space<hbm>>) target(%arg7 : memref<125x32xf32, #tpu.memory_space<vmem>>) target_semaphore(%arg10 : memref<!tpu.dma_semaphore, #tpu.memory_space<semaphore_mem>>)
    %scan3A = arith.constant 0 : i32
    %scan3A_10 = arith.constant 0 : i32
    %scan3A_11 = arith.constant 40 : i32
    %scan3A_12 = arith.addi %scan3A_10, %scan3A_11 : i32
    %scan3A_13 = arith.constant 1 : i32
    %scan3A_14 = scf.for %scan3A_21 = %scan3A_10 to %scan3A_12 step %scan3A_13 iter_args(%scan3A_22 = %scan3A) -> (i32)  : i32 {
      %rem3A = arith.constant 2 : i32
      %rem3A_23 = arith.remsi %scan3A_21, %rem3A : i32
      %add3A_24 = arith.constant 1 : i32
      %add3A_25 = arith.addi %scan3A_21, %add3A_24 : i32
      %lt3A = arith.constant 40 : i32
      %lt3A_26 = arith.cmpi slt, %add3A_25, %lt3A : i32
      %convert_element_type3A = arith.extui %lt3A_26 : i1 to i32
      %cond3A = arith.constant 0 : i32
      %cond3A_27 = arith.cmpi ne, %convert_element_type3A, %cond3A : i32
      scf.if %cond3A_27 {
        %ne3A = arith.constant 0 : i32
        %ne3A_38 = arith.cmpi ne, %rem3A_23, %ne3A : i32
        %convert_element_type3A_39 = arith.extui %ne3A_38 : i1 to i32
        %cond3A_40 = arith.constant 0 : i32
        %cond3A_41 = arith.cmpi ne, %convert_element_type3A_39, %cond3A_40 : i32
        scf.if %cond3A_41 {
          %add3A_47 = arith.constant 1 : i32
          %add3A_48 = arith.addi %scan3A_21, %add3A_47 : i32
          %mul3A_49 = arith.constant 125 : i32
          %mul3A_50 = arith.muli %add3A_48, %mul3A_49 : i32
          %add3A_51 = arith.addi %mul3A_2, %mul3A_50 : i32
          %dma_start3A_52 = arith.constant 0 : i32
          %dma_start3A_53 = tpu.memref_slice %arg2[%add3A_51, %dma_start3A_52] : memref<160000x32xf32, #tpu.memory_space<hbm>> -> memref<125x32xf32, #tpu.memory_space<hbm>>
          %dma_start3A_54 = arith.constant 0 : i32
          %dma_start3A_55 = tpu.memref_slice %arg2[%add3A_51, %dma_start3A_54] : memref<160000x32xf32, #tpu.memory_space<hbm>> -> memref<125x32xf32, #tpu.memory_space<hbm>>
          tpu.enqueue_dma source(%dma_start3A_55 : memref<125x32xf32, #tpu.memory_space<hbm>>) target(%arg7 : memref<125x32xf32, #tpu.memory_space<vmem>>) target_semaphore(%arg10 : memref<!tpu.dma_semaphore, #tpu.memory_space<semaphore_mem>>)
        } else {
        }
        %ne3A_42 = arith.constant 1 : i32
        %ne3A_43 = arith.cmpi ne, %rem3A_23, %ne3A_42 : i32
        %convert_element_type3A_44 = arith.extui %ne3A_43 : i1 to i32
        %cond3A_45 = arith.constant 0 : i32
        %cond3A_46 = arith.cmpi ne, %convert_element_type3A_44, %cond3A_45 : i32
        scf.if %cond3A_46 {
          %add3A_47 = arith.constant 1 : i32
          %add3A_48 = arith.addi %scan3A_21, %add3A_47 : i32
          %mul3A_49 = arith.constant 125 : i32
          %mul3A_50 = arith.muli %add3A_48, %mul3A_49 : i32
          %add3A_51 = arith.addi %mul3A_2, %mul3A_50 : i32
          %dma_start3A_52 = arith.constant 0 : i32
          %dma_start3A_53 = tpu.memref_slice %arg2[%add3A_51, %dma_start3A_52] : memref<160000x32xf32, #tpu.memory_space<hbm>> -> memref<125x32xf32, #tpu.memory_space<hbm>>
          %dma_start3A_54 = arith.constant 0 : i32
          %dma_start3A_55 = tpu.memref_slice %arg2[%add3A_51, %dma_start3A_54] : memref<160000x32xf32, #tpu.memory_space<hbm>> -> memref<125x32xf32, #tpu.memory_space<hbm>>
          tpu.enqueue_dma source(%dma_start3A_55 : memref<125x32xf32, #tpu.memory_space<hbm>>) target(%arg8 : memref<125x32xf32, #tpu.memory_space<vmem>>) target_semaphore(%arg11 : memref<!tpu.dma_semaphore, #tpu.memory_space<semaphore_mem>>)
        } else {
        }
      } else {
      }
      %eq3A = arith.constant 0 : i32
      %eq3A_28 = arith.cmpi eq, %rem3A_23, %eq3A : i32
      %convert_element_type3A_29 = arith.extui %eq3A_28 : i1 to i32
      %cond3A_30 = arith.constant 0 : i32
      %cond3A_31 = arith.cmpi ne, %convert_element_type3A_29, %cond3A_30 : i32
      scf.if %cond3A_31 {
        %mul3A_38 = arith.constant 125 : i32
        %mul3A_39 = arith.muli %scan3A_21, %mul3A_38 : i32
        %add3A_40 = arith.addi %mul3A_2, %mul3A_39 : i32
        %dma_wait3A = arith.constant 0 : i32
        %dma_wait3A_41 = tpu.memref_slice %arg2[%add3A_40, %dma_wait3A] : memref<160000x32xf32, #tpu.memory_space<hbm>> -> memref<125x32xf32, #tpu.memory_space<hbm>>
        %dma_wait3A_42 = arith.constant 0 : i32
        %dma_wait3A_43 = tpu.memref_slice %arg2[%add3A_40, %dma_wait3A_42] : memref<160000x32xf32, #tpu.memory_space<hbm>> -> memref<125x32xf32, #tpu.memory_space<hbm>>
        tpu.wait_dma2 semaphore(%arg10 : memref<!tpu.dma_semaphore, #tpu.memory_space<semaphore_mem>>) src(%dma_wait3A_43 : memref<125x32xf32, #tpu.memory_space<hbm>>) dst(%arg7 : memref<125x32xf32, #tpu.memory_space<vmem>>)
        "tpu.region"() ({
          %run_scoped3A = tpu.sem_alloc : memref<!tpu.dma_semaphore, #tpu.memory_space<semaphore_mem>>
          %dma_start3A_44 = arith.constant 0 : i32
          %dma_start3A_45 = tpu.memref_slice %arg6[%scan3A_21, %dma_start3A_44] : memref<40x125xi32, #tpu.memory_space<vmem>> -> memref<1x125xi32, #tpu.memory_space<vmem>>
          %dma_start3A_46 = tpu.memref_squeeze %dma_start3A_45 : memref<1x125xi32, #tpu.memory_space<vmem>> -> memref<125xi32, #tpu.memory_space<vmem>>
          %dma_start3A_47 = arith.constant 0 : i32
          %dma_start3A_48 = arith.constant 0 : i32
          %dma_start3A_49 = tpu.memref_slice %arg9[%dma_start3A_47, %dma_start3A_48] : memref<10000x32xf32, #tpu.memory_space<vmem_shared>> -> memref<10000x32xf32, #tpu.memory_space<vmem_shared>>
          tpu.enqueue_indirect_dma source(%arg7 : memref<125x32xf32, #tpu.memory_space<vmem>>) target(%dma_start3A_49 : memref<10000x32xf32, #tpu.memory_space<vmem_shared>>) offsets(%dma_start3A_46 : memref<125xi32, #tpu.memory_space<vmem>>) semaphore(%run_scoped3A : memref<!tpu.dma_semaphore, #tpu.memory_space<semaphore_mem>>) {add = true}
          %dma_wait3A_50 = arith.constant 0 : i32
          %dma_wait3A_51 = tpu.memref_slice %arg6[%scan3A_21, %dma_wait3A_50] : memref<40x125xi32, #tpu.memory_space<vmem>> -> memref<1x125xi32, #tpu.memory_space<vmem>>
          %dma_wait3A_52 = tpu.memref_squeeze %dma_wait3A_51 : memref<1x125xi32, #tpu.memory_space<vmem>> -> memref<125xi32, #tpu.memory_space<vmem>>
          %dma_wait3A_53 = arith.constant 0 : i32
          %dma_wait3A_54 = arith.constant 0 : i32
          %dma_wait3A_55 = tpu.memref_slice %arg9[%dma_wait3A_53, %dma_wait3A_54] : memref<10000x32xf32, #tpu.memory_space<vmem_shared>> -> memref<10000x32xf32, #tpu.memory_space<vmem_shared>>
          tpu.wait_indirect_dma semaphore(%run_scoped3A : memref<!tpu.dma_semaphore, #tpu.memory_space<semaphore_mem>>) src(%arg7 : memref<125x32xf32, #tpu.memory_space<vmem>>) dst(%dma_wait3A_55 : memref<10000x32xf32, #tpu.memory_space<vmem_shared>>)
          tpu.yield
        }) : () -> ()
      } else {
      }
      %eq3A_32 = arith.constant 1 : i32
      %eq3A_33 = arith.cmpi eq, %rem3A_23, %eq3A_32 : i32
      %convert_element_type3A_34 = arith.extui %eq3A_33 : i1 to i32
      %cond3A_35 = arith.constant 0 : i32
      %cond3A_36 = arith.cmpi ne, %convert_element_type3A_34, %cond3A_35 : i32
      scf.if %cond3A_36 {
        %mul3A_38 = arith.constant 125 : i32
        %mul3A_39 = arith.muli %scan3A_21, %mul3A_38 : i32
        %add3A_40 = arith.addi %mul3A_2, %mul3A_39 : i32
        %dma_wait3A = arith.constant 0 : i32
        %dma_wait3A_41 = tpu.memref_slice %arg2[%add3A_40, %dma_wait3A] : memref<160000x32xf32, #tpu.memory_space<hbm>> -> memref<125x32xf32, #tpu.memory_space<hbm>>
        %dma_wait3A_42 = arith.constant 0 : i32
        %dma_wait3A_43 = tpu.memref_slice %arg2[%add3A_40, %dma_wait3A_42] : memref<160000x32xf32, #tpu.memory_space<hbm>> -> memref<125x32xf32, #tpu.memory_space<hbm>>
        tpu.wait_dma2 semaphore(%arg11 : memref<!tpu.dma_semaphore, #tpu.memory_space<semaphore_mem>>) src(%dma_wait3A_43 : memref<125x32xf32, #tpu.memory_space<hbm>>) dst(%arg8 : memref<125x32xf32, #tpu.memory_space<vmem>>)
        "tpu.region"() ({
          %run_scoped3A = tpu.sem_alloc : memref<!tpu.dma_semaphore, #tpu.memory_space<semaphore_mem>>
          %dma_start3A_44 = arith.constant 0 : i32
          %dma_start3A_45 = tpu.memref_slice %arg6[%scan3A_21, %dma_start3A_44] : memref<40x125xi32, #tpu.memory_space<vmem>> -> memref<1x125xi32, #tpu.memory_space<vmem>>
          %dma_start3A_46 = tpu.memref_squeeze %dma_start3A_45 : memref<1x125xi32, #tpu.memory_space<vmem>> -> memref<125xi32, #tpu.memory_space<vmem>>
          %dma_start3A_47 = arith.constant 0 : i32
          %dma_start3A_48 = arith.constant 0 : i32
          %dma_start3A_49 = tpu.memref_slice %arg9[%dma_start3A_47, %dma_start3A_48] : memref<10000x32xf32, #tpu.memory_space<vmem_shared>> -> memref<10000x32xf32, #tpu.memory_space<vmem_shared>>
          tpu.enqueue_indirect_dma source(%arg8 : memref<125x32xf32, #tpu.memory_space<vmem>>) target(%dma_start3A_49 : memref<10000x32xf32, #tpu.memory_space<vmem_shared>>) offsets(%dma_start3A_46 : memref<125xi32, #tpu.memory_space<vmem>>) semaphore(%run_scoped3A : memref<!tpu.dma_semaphore, #tpu.memory_space<semaphore_mem>>) {add = true}
          %dma_wait3A_50 = arith.constant 0 : i32
          %dma_wait3A_51 = tpu.memref_slice %arg6[%scan3A_21, %dma_wait3A_50] : memref<40x125xi32, #tpu.memory_space<vmem>> -> memref<1x125xi32, #tpu.memory_space<vmem>>
          %dma_wait3A_52 = tpu.memref_squeeze %dma_wait3A_51 : memref<1x125xi32, #tpu.memory_space<vmem>> -> memref<125xi32, #tpu.memory_space<vmem>>
          %dma_wait3A_53 = arith.constant 0 : i32
          %dma_wait3A_54 = arith.constant 0 : i32
          %dma_wait3A_55 = tpu.memref_slice %arg9[%dma_wait3A_53, %dma_wait3A_54] : memref<10000x32xf32, #tpu.memory_space<vmem_shared>> -> memref<10000x32xf32, #tpu.memory_space<vmem_shared>>
          tpu.wait_indirect_dma semaphore(%run_scoped3A : memref<!tpu.dma_semaphore, #tpu.memory_space<semaphore_mem>>) src(%arg8 : memref<125x32xf32, #tpu.memory_space<vmem>>) dst(%dma_wait3A_55 : memref<10000x32xf32, #tpu.memory_space<vmem_shared>>)
          tpu.yield
        }) : () -> ()
      } else {
      }
      %scan3A_37 = arith.constant 0 : i32
      scf.yield %scan3A_37 : i32
    }
    %scan3A_15 = arith.constant 40 : i32
    %barrier3A_16 = arith.constant 0 : index
    tpu.barrier barrier_id(%barrier3A_16)
    %mul3A_17 = arith.constant 625 : i32
    %mul3A_18 = arith.muli %arg1, %mul3A_17 : i32
    %mul3A_19 = arith.constant 625 : i32
    %mul3A_20 = arith.muli %arg1, %mul3A_19 : i32
    "tpu.region"() ({
      %run_scoped3A = tpu.sem_alloc : memref<!tpu.dma_semaphore, #tpu.memory_space<semaphore_mem>>
      %dma_start3A_21 = arith.constant 0 : i32
      %dma_start3A_22 = tpu.memref_slice %arg5[%arg0, %mul3A_20, %dma_start3A_21] : memref<2x10000x32xf32, #tpu.memory_space<hbm>> -> memref<1x625x32xf32, #tpu.memory_space<hbm>>
      %dma_start3A_23 = tpu.memref_squeeze %dma_start3A_22 : memref<1x625x32xf32, #tpu.memory_space<hbm>> -> memref<625x32xf32, #tpu.memory_space<hbm>>
      %dma_start3A_24 = arith.constant 0 : i32
      %dma_start3A_25 = tpu.memref_slice %arg9[%mul3A_18, %dma_start3A_24] : memref<10000x32xf32, #tpu.memory_space<vmem_shared>> -> memref<625x32xf32, #tpu.memory_space<vmem_shared>>
      tpu.enqueue_dma source(%dma_start3A_25 : memref<625x32xf32, #tpu.memory_space<vmem_shared>>) target(%dma_start3A_23 : memref<625x32xf32, #tpu.memory_space<hbm>>) target_semaphore(%run_scoped3A : memref<!tpu.dma_semaphore, #tpu.memory_space<semaphore_mem>>)
      %dma_wait3A = arith.constant 0 : i32
      %dma_wait3A_26 = tpu.memref_slice %arg5[%arg0, %mul3A_20, %dma_wait3A] : memref<2x10000x32xf32, #tpu.memory_space<hbm>> -> memref<1x625x32xf32, #tpu.memory_space<hbm>>
      %dma_wait3A_27 = tpu.memref_squeeze %dma_wait3A_26 : memref<1x625x32xf32, #tpu.memory_space<hbm>> -> memref<625x32xf32, #tpu.memory_space<hbm>>
      %dma_wait3A_28 = arith.constant 0 : i32
      %dma_wait3A_29 = tpu.memref_slice %arg9[%mul3A_18, %dma_wait3A_28] : memref<10000x32xf32, #tpu.memory_space<vmem_shared>> -> memref<625x32xf32, #tpu.memory_space<vmem_shared>>
      tpu.wait_dma2 semaphore(%run_scoped3A : memref<!tpu.dma_semaphore, #tpu.memory_space<semaphore_mem>>) src(%dma_wait3A_29 : memref<625x32xf32, #tpu.memory_space<vmem_shared>>) dst(%dma_wait3A_27 : memref<625x32xf32, #tpu.memory_space<hbm>>)
      tpu.yield
    }) : () -> ()
    return
  }
}

module attributes {stable_mosaic.version = 14 : i64} {
  func.func @_tp_body(%arg0: i32, %arg1: memref<3x3200xf32, #tpu.memory_space<vmem>>, %arg2: memref<1x3200xf32, #tpu.memory_space<vmem>>, %arg3: memref<3200x32xf32, #tpu.memory_space<vmem>>, %arg4: memref<1x72xf32, #tpu.memory_space<vmem>>, %arg5: memref<1x72xf32, #tpu.memory_space<vmem>>, %arg6: memref<72x480xbf16, #tpu.memory_space<vmem>>, %arg7: memref<32x112xf32, #tpu.memory_space<vmem>>, %arg8: memref<4x112xf32, #tpu.memory_space<vmem>>, %arg9: memref<112x480xbf16, #tpu.memory_space<vmem>>, %arg10: memref<480x32xbf16, #tpu.memory_space<vmem>>, %arg11: memref<32x32xf32, #tpu.memory_space<vmem>>, %arg12: memref<4x32xf32, #tpu.memory_space<vmem>>, %arg13: memref<1x32xf32, #tpu.memory_space<vmem>>, %arg14: memref<3200x32xf32, #tpu.memory_space<vmem>>) attributes {dimension_semantics = [#tpu.dimension_semantics<arbitrary>], iteration_bounds = array<i64: 50>, scalar_prefetch = 0 : i64, scratch_operands = 0 : i64, tpu.core_type = #tpu.core_type<tc>, window_params = [{transform_indices = @transform_0, window_bounds = array<i64: 3, 3200>}, {transform_indices = @transform_1, window_bounds = array<i64: 1, 3200>}, {transform_indices = @transform_2, window_bounds = array<i64: 3200, 32>}, {pipeline_mode = #tpu.pipeline_mode<synchronous>, transform_indices = @transform_3, window_bounds = array<i64: 1, 72>}, {pipeline_mode = #tpu.pipeline_mode<synchronous>, transform_indices = @transform_4, window_bounds = array<i64: 1, 72>}, {pipeline_mode = #tpu.pipeline_mode<synchronous>, transform_indices = @transform_5, window_bounds = array<i64: 72, 480>}, {pipeline_mode = #tpu.pipeline_mode<synchronous>, transform_indices = @transform_6, window_bounds = array<i64: 32, 112>}, {pipeline_mode = #tpu.pipeline_mode<synchronous>, transform_indices = @transform_7, window_bounds = array<i64: 4, 112>}, {pipeline_mode = #tpu.pipeline_mode<synchronous>, transform_indices = @transform_8, window_bounds = array<i64: 112, 480>}, {pipeline_mode = #tpu.pipeline_mode<synchronous>, transform_indices = @transform_9, window_bounds = array<i64: 480, 32>}, {pipeline_mode = #tpu.pipeline_mode<synchronous>, transform_indices = @transform_10, window_bounds = array<i64: 32, 32>}, {pipeline_mode = #tpu.pipeline_mode<synchronous>, transform_indices = @transform_11, window_bounds = array<i64: 4, 32>}, {pipeline_mode = #tpu.pipeline_mode<synchronous>, transform_indices = @transform_12, window_bounds = array<i64: 1, 32>}, {transform_indices = @transform_13, window_bounds = array<i64: 3200, 32>}]} {
    %get3A = arith.constant 0 : index
    %get3A_0 = arith.constant 0 : index
    %get3A_1 = vector.load %arg1[%get3A, %get3A_0] : memref<3x3200xf32, #tpu.memory_space<vmem>>, vector<3x3200xf32>
    %get3A_2 = arith.constant 0 : index
    %get3A_3 = arith.constant 0 : index
    %get3A_4 = vector.load %arg2[%get3A_2, %get3A_3] : memref<1x3200xf32, #tpu.memory_space<vmem>>, vector<1x3200xf32>
    %get3A_5 = arith.constant 0 : index
    %get3A_6 = arith.constant 0 : index
    %get3A_7 = vector.load %arg3[%get3A_5, %get3A_6] : memref<3200x32xf32, #tpu.memory_space<vmem>>, vector<3200x32xf32>
    %mul3A = arith.mulf %get3A_1, %get3A_1 : vector<3x3200xf32>
    %reduce_sum3A = arith.constant dense<0.000000e+00> : vector<3200xf32>
    %reduce_sum3A_8 = vector.multi_reduction <add>, %mul3A, %reduce_sum3A [0] : vector<3x3200xf32> to vector<3200xf32>
    %broadcast_in_dim3A = vector.shape_cast %reduce_sum3A_8 : vector<3200xf32> to vector<1x3200xf32>
    %sqrt3A = math.sqrt %broadcast_in_dim3A : vector<1x3200xf32>
    %max3A = arith.constant 9.99999996E-13 : f32
    %max3A_9 = vector.broadcast %max3A : f32 to vector<1x3200xf32>
    %max3A_10 = arith.maximumf %sqrt3A, %max3A_9 : vector<1x3200xf32>
    %div3A = arith.constant 1.73205078 : f32
    %div3A_11 = vector.broadcast %div3A : f32 to vector<1x3200xf32>
    %div3A_12 = arith.divf %div3A_11, %max3A_10 : vector<1x3200xf32>
    %broadcast_in_dim3A_13 = arith.constant 1.000000e+00 : f32
    %broadcast_in_dim3A_14 = vector.broadcast %broadcast_in_dim3A_13 : f32 to vector<1x3200xf32>
    %mul3A_15 = vector.broadcast %div3A_12 : vector<1x3200xf32> to vector<3x3200xf32>
    %mul3A_16 = arith.mulf %get3A_1, %mul3A_15 : vector<3x3200xf32>
    %concatenate3A = tpu.concatenate %broadcast_in_dim3A_14, %mul3A_16 in 0 : vector<1x3200xf32>, vector<3x3200xf32> -> vector<4x3200xf32>
    %get3A_17 = arith.constant 0 : index
    %get3A_18 = arith.constant 0 : index
    %get3A_19 = vector.load %arg4[%get3A_17, %get3A_18] : memref<1x72xf32, #tpu.memory_space<vmem>>, vector<1x72xf32>
    %dot_general3A = arith.constant dense<0.000000e+00> : vector<3200x72xf32>
    %dot_general3A_20 = tpu.matmul %get3A_4, %get3A_19, %dot_general3A {dimension_numbers = #tpu.dot_dimension_numbers<[0], [0], [1], [1], [0, 1, 1, 1], [], []>, transpose_lhs_hint = false} : vector<1x3200xf32>, vector<1x72xf32>, vector<3200x72xf32> -> vector<3200x72xf32>
    %get3A_21 = arith.constant 0 : index
    %get3A_22 = arith.constant 0 : index
    %get3A_23 = vector.load %arg5[%get3A_21, %get3A_22] : memref<1x72xf32, #tpu.memory_space<vmem>>, vector<1x72xf32>
    %add3A = vector.broadcast %get3A_23 : vector<1x72xf32> to vector<3200x72xf32>
    %add3A_24 = arith.addf %dot_general3A_20, %add3A : vector<3200x72xf32>
    %logistic3A = arith.negf %add3A_24 : vector<3200x72xf32>
    %logistic3A_25 = math.exp %logistic3A : vector<3200x72xf32>
    %logistic3A_26 = arith.constant 1.000000e+00 : f32
    %logistic3A_27 = vector.broadcast %logistic3A_26 : f32 to vector<3200x72xf32>
    %logistic3A_28 = arith.addf %logistic3A_27, %logistic3A_25 : vector<3200x72xf32>
    %logistic3A_29 = arith.divf %logistic3A_27, %logistic3A_28 : vector<3200x72xf32>
    %mul3A_30 = arith.mulf %add3A_24, %logistic3A_29 : vector<3200x72xf32>
    %convert_element_type3A = arith.truncf %mul3A_30 : vector<3200x72xf32> to vector<3200x72xbf16>
    %get3A_31 = arith.constant 0 : index
    %get3A_32 = arith.constant 0 : index
    %get3A_33 = vector.load %arg6[%get3A_31, %get3A_32] : memref<72x480xbf16, #tpu.memory_space<vmem>>, vector<72x480xbf16>
    %dot_general3A_34 = arith.constant dense<0.000000e+00> : vector<3200x480xf32>
    %dot_general3A_35 = tpu.matmul %convert_element_type3A, %get3A_33, %dot_general3A_34 {dimension_numbers = #tpu.dot_dimension_numbers<[1], [0], [0], [1], [0, 0, 1, 1], [], []>, transpose_lhs_hint = false} : vector<3200x72xbf16>, vector<72x480xbf16>, vector<3200x480xf32> -> vector<3200x480xf32>
    %get3A_36 = arith.constant 0 : index
    %get3A_37 = arith.constant 0 : index
    %get3A_38 = vector.load %arg7[%get3A_36, %get3A_37] : memref<32x112xf32, #tpu.memory_space<vmem>>, vector<32x112xf32>
    %dot_general3A_39 = arith.constant dense<0.000000e+00> : vector<3200x112xf32>
    %dot_general3A_40 = tpu.matmul %get3A_7, %get3A_38, %dot_general3A_39 {dimension_numbers = #tpu.dot_dimension_numbers<[1], [0], [0], [1], [0, 0, 1, 1], [], []>, transpose_lhs_hint = false} : vector<3200x32xf32>, vector<32x112xf32>, vector<3200x112xf32> -> vector<3200x112xf32>
    %get3A_41 = arith.constant 0 : index
    %get3A_42 = arith.constant 0 : index
    %get3A_43 = vector.load %arg8[%get3A_41, %get3A_42] : memref<4x112xf32, #tpu.memory_space<vmem>>, vector<4x112xf32>
    %dot_general3A_44 = arith.constant dense<0.000000e+00> : vector<3200x112xf32>
    %dot_general3A_45 = tpu.matmul %concatenate3A, %get3A_43, %dot_general3A_44 {dimension_numbers = #tpu.dot_dimension_numbers<[0], [0], [1], [1], [0, 1, 1, 1], [], []>, transpose_lhs_hint = false} : vector<4x3200xf32>, vector<4x112xf32>, vector<3200x112xf32> -> vector<3200x112xf32>
    %mul3A_46 = arith.mulf %dot_general3A_40, %dot_general3A_45 : vector<3200x112xf32>
    %convert_element_type3A_47 = arith.truncf %mul3A_46 : vector<3200x112xf32> to vector<3200x112xbf16>
    %get3A_48 = arith.constant 0 : index
    %get3A_49 = arith.constant 0 : index
    %get3A_50 = vector.load %arg9[%get3A_48, %get3A_49] : memref<112x480xbf16, #tpu.memory_space<vmem>>, vector<112x480xbf16>
    %dot_general3A_51 = arith.constant dense<0.000000e+00> : vector<3200x480xf32>
    %dot_general3A_52 = tpu.matmul %convert_element_type3A_47, %get3A_50, %dot_general3A_51 {dimension_numbers = #tpu.dot_dimension_numbers<[1], [0], [0], [1], [0, 0, 1, 1], [], []>, transpose_lhs_hint = false} : vector<3200x112xbf16>, vector<112x480xbf16>, vector<3200x480xf32> -> vector<3200x480xf32>
    %mul3A_53 = arith.mulf %dot_general3A_52, %dot_general3A_35 : vector<3200x480xf32>
    %convert_element_type3A_54 = arith.truncf %mul3A_53 : vector<3200x480xf32> to vector<3200x480xbf16>
    %get3A_55 = arith.constant 0 : index
    %get3A_56 = arith.constant 0 : index
    %get3A_57 = vector.load %arg10[%get3A_55, %get3A_56] : memref<480x32xbf16, #tpu.memory_space<vmem>>, vector<480x32xbf16>
    %dot_general3A_58 = arith.constant dense<0.000000e+00> : vector<3200x32xf32>
    %dot_general3A_59 = tpu.matmul %convert_element_type3A_54, %get3A_57, %dot_general3A_58 {dimension_numbers = #tpu.dot_dimension_numbers<[1], [0], [0], [1], [0, 0, 1, 1], [], []>, transpose_lhs_hint = false} : vector<3200x480xbf16>, vector<480x32xbf16>, vector<3200x32xf32> -> vector<3200x32xf32>
    %get3A_60 = arith.constant 0 : index
    %get3A_61 = arith.constant 0 : index
    %get3A_62 = vector.load %arg11[%get3A_60, %get3A_61] : memref<32x32xf32, #tpu.memory_space<vmem>>, vector<32x32xf32>
    %dot_general3A_63 = arith.constant dense<0.000000e+00> : vector<3200x32xf32>
    %dot_general3A_64 = tpu.matmul %dot_general3A_59, %get3A_62, %dot_general3A_63 {dimension_numbers = #tpu.dot_dimension_numbers<[1], [0], [0], [1], [0, 0, 1, 1], [], []>, transpose_lhs_hint = false} : vector<3200x32xf32>, vector<32x32xf32>, vector<3200x32xf32> -> vector<3200x32xf32>
    %get3A_65 = arith.constant 0 : index
    %get3A_66 = arith.constant 0 : index
    %get3A_67 = vector.load %arg12[%get3A_65, %get3A_66] : memref<4x32xf32, #tpu.memory_space<vmem>>, vector<4x32xf32>
    %dot_general3A_68 = arith.constant dense<0.000000e+00> : vector<3200x32xf32>
    %dot_general3A_69 = tpu.matmul %concatenate3A, %get3A_67, %dot_general3A_68 {dimension_numbers = #tpu.dot_dimension_numbers<[0], [0], [1], [1], [0, 1, 1, 1], [], []>, transpose_lhs_hint = false} : vector<4x3200xf32>, vector<4x32xf32>, vector<3200x32xf32> -> vector<3200x32xf32>
    %mul3A_70 = arith.mulf %dot_general3A_64, %dot_general3A_69 : vector<3200x32xf32>
    %get3A_71 = arith.constant 0 : index
    %get3A_72 = arith.constant 0 : index
    %get3A_73 = vector.load %arg13[%get3A_71, %get3A_72] : memref<1x32xf32, #tpu.memory_space<vmem>>, vector<1x32xf32>
    %mul3A_74 = vector.broadcast %get3A_73 : vector<1x32xf32> to vector<3200x32xf32>
    %mul3A_75 = arith.mulf %dot_general3A_59, %mul3A_74 : vector<3200x32xf32>
    %add3A_76 = arith.addf %mul3A_75, %mul3A_70 : vector<3200x32xf32>
    %swap3A = arith.constant 0 : index
    %swap3A_77 = arith.constant 0 : index
    %swap3A_78 = vector.load %arg14[%swap3A, %swap3A_77] : memref<3200x32xf32, #tpu.memory_space<vmem>>, vector<3200x32xf32>
    tpu.vector_store %arg14[%swap3A, %swap3A_77], %add3A_76 {strides = array<i32>} : memref<3200x32xf32, #tpu.memory_space<vmem>>, vector<3200x32xf32>,
    return
  }
  func.func @transform_0(%arg0: i32) -> (i32, i32) {
    %c0_i32 = arith.constant 0 : i32
    %c0_i32_0 = arith.constant 0 : i32
    return %c0_i32, %arg0 : i32, i32
  }
  func.func @transform_1(%arg0: i32) -> (i32, i32) {
    %c0_i32 = arith.constant 0 : i32
    %c0_i32_0 = arith.constant 0 : i32
    return %c0_i32, %arg0 : i32, i32
  }
  func.func @transform_2(%arg0: i32) -> (i32, i32) {
    %c0_i32 = arith.constant 0 : i32
    %c0_i32_0 = arith.constant 0 : i32
    return %arg0, %c0_i32 : i32, i32
  }
  func.func @transform_3(%arg0: i32) -> (i32, i32) {
    %c0_i32 = arith.constant 0 : i32
    %c0_i32_0 = arith.constant 0 : i32
    %c0_i32_1 = arith.constant 0 : i32
    return %c0_i32, %c0_i32_0 : i32, i32
  }
  func.func @transform_4(%arg0: i32) -> (i32, i32) {
    %c0_i32 = arith.constant 0 : i32
    %c0_i32_0 = arith.constant 0 : i32
    %c0_i32_1 = arith.constant 0 : i32
    return %c0_i32, %c0_i32_0 : i32, i32
  }
  func.func @transform_5(%arg0: i32) -> (i32, i32) {
    %c0_i32 = arith.constant 0 : i32
    %c0_i32_0 = arith.constant 0 : i32
    %c0_i32_1 = arith.constant 0 : i32
    return %c0_i32, %c0_i32_0 : i32, i32
  }
  func.func @transform_6(%arg0: i32) -> (i32, i32) {
    %c0_i32 = arith.constant 0 : i32
    %c0_i32_0 = arith.constant 0 : i32
    %c0_i32_1 = arith.constant 0 : i32
    return %c0_i32, %c0_i32_0 : i32, i32
  }
  func.func @transform_7(%arg0: i32) -> (i32, i32) {
    %c0_i32 = arith.constant 0 : i32
    %c0_i32_0 = arith.constant 0 : i32
    %c0_i32_1 = arith.constant 0 : i32
    return %c0_i32, %c0_i32_0 : i32, i32
  }
  func.func @transform_8(%arg0: i32) -> (i32, i32) {
    %c0_i32 = arith.constant 0 : i32
    %c0_i32_0 = arith.constant 0 : i32
    %c0_i32_1 = arith.constant 0 : i32
    return %c0_i32, %c0_i32_0 : i32, i32
  }
  func.func @transform_9(%arg0: i32) -> (i32, i32) {
    %c0_i32 = arith.constant 0 : i32
    %c0_i32_0 = arith.constant 0 : i32
    %c0_i32_1 = arith.constant 0 : i32
    return %c0_i32, %c0_i32_0 : i32, i32
  }
  func.func @transform_10(%arg0: i32) -> (i32, i32) {
    %c0_i32 = arith.constant 0 : i32
    %c0_i32_0 = arith.constant 0 : i32
    %c0_i32_1 = arith.constant 0 : i32
    return %c0_i32, %c0_i32_0 : i32, i32
  }
  func.func @transform_11(%arg0: i32) -> (i32, i32) {
    %c0_i32 = arith.constant 0 : i32
    %c0_i32_0 = arith.constant 0 : i32
    %c0_i32_1 = arith.constant 0 : i32
    return %c0_i32, %c0_i32_0 : i32, i32
  }
  func.func @transform_12(%arg0: i32) -> (i32, i32) {
    %c0_i32 = arith.constant 0 : i32
    %c0_i32_0 = arith.constant 0 : i32
    %c0_i32_1 = arith.constant 0 : i32
    return %c0_i32, %c0_i32_0 : i32, i32
  }
  func.func @transform_13(%arg0: i32) -> (i32, i32) {
    %c0_i32 = arith.constant 0 : i32
    %c0_i32_0 = arith.constant 0 : i32
    return %arg0, %c0_i32 : i32, i32
  }
}

module attributes {stable_mosaic.version = 14 : i64} {
  func.func @_gate_body(%arg0: i32, %arg1: memref<10000x28xf32, #tpu.memory_space<vmem>>, %arg2: memref<2x10000x32xf32, #tpu.memory_space<vmem>>, %arg3: memref<16x12xf32, #tpu.memory_space<vmem>>, %arg4: memref<1x12xf32, #tpu.memory_space<vmem>>, %arg5: memref<10000x28xf32, #tpu.memory_space<vmem>>) attributes {dimension_semantics = [#tpu.dimension_semantics<arbitrary>], iteration_bounds = array<i64: 1>, scalar_prefetch = 0 : i64, scratch_operands = 0 : i64, tpu.core_type = #tpu.core_type<tc>, window_params = [{pipeline_mode = #tpu.pipeline_mode<synchronous>, transform_indices = @transform_0, window_bounds = array<i64: 10000, 28>}, {pipeline_mode = #tpu.pipeline_mode<synchronous>, transform_indices = @transform_1, window_bounds = array<i64: 2, 10000, 32>}, {pipeline_mode = #tpu.pipeline_mode<synchronous>, transform_indices = @transform_2, window_bounds = array<i64: 16, 12>}, {pipeline_mode = #tpu.pipeline_mode<synchronous>, transform_indices = @transform_3, window_bounds = array<i64: 1, 12>}, {pipeline_mode = #tpu.pipeline_mode<synchronous>, transform_indices = @transform_4, window_bounds = array<i64: 10000, 28>}]} {
    %get3A = arith.constant 0 : index
    %get3A_0 = arith.constant 0 : index
    %get3A_1 = vector.load %arg1[%get3A, %get3A_0] : memref<10000x28xf32, #tpu.memory_space<vmem>>, vector<10000x28xf32>
    %get3A_2 = arith.constant 0 : index
    %get3A_3 = arith.constant 0 : index
    %get3A_4 = arith.constant 0 : index
    %get3A_5 = vector.load %arg2[%get3A_2, %get3A_3, %get3A_4] : memref<2x10000x32xf32, #tpu.memory_space<vmem>>, vector<1x10000x32xf32>
    %get3A_6 = vector.shape_cast %get3A_5 : vector<1x10000x32xf32> to vector<10000x32xf32>
    %get3A_7 = arith.constant 1 : index
    %get3A_8 = arith.constant 0 : index
    %get3A_9 = arith.constant 0 : index
    %get3A_10 = vector.load %arg2[%get3A_7, %get3A_8, %get3A_9] : memref<2x10000x32xf32, #tpu.memory_space<vmem>>, vector<1x10000x32xf32>
    %get3A_11 = vector.shape_cast %get3A_10 : vector<1x10000x32xf32> to vector<10000x32xf32>
    %add3A = arith.addf %get3A_6, %get3A_11 : vector<10000x32xf32>
    %slice3A = vector.extract_strided_slice %get3A_1 {offsets = [0, 0], sizes = [10000, 16], strides = [1, 1]} : vector<10000x28xf32> to vector<10000x16xf32>
    %get3A_12 = arith.constant 0 : index
    %get3A_13 = arith.constant 0 : index
    %get3A_14 = vector.load %arg3[%get3A_12, %get3A_13] : memref<16x12xf32, #tpu.memory_space<vmem>>, vector<16x12xf32>
    %dot_general3A = arith.constant dense<0.000000e+00> : vector<10000x12xf32>
    %dot_general3A_15 = tpu.matmul %slice3A, %get3A_14, %dot_general3A {dimension_numbers = #tpu.dot_dimension_numbers<[1], [0], [0], [1], [0, 0, 1, 1], [], []>, transpose_lhs_hint = false} : vector<10000x16xf32>, vector<16x12xf32>, vector<10000x12xf32> -> vector<10000x12xf32>
    %get3A_16 = arith.constant 0 : index
    %get3A_17 = arith.constant 0 : index
    %get3A_18 = vector.load %arg4[%get3A_16, %get3A_17] : memref<1x12xf32, #tpu.memory_space<vmem>>, vector<1x12xf32>
    %add3A_19 = vector.broadcast %get3A_18 : vector<1x12xf32> to vector<10000x12xf32>
    %add3A_20 = arith.addf %dot_general3A_15, %add3A_19 : vector<10000x12xf32>
    %logistic3A = arith.negf %add3A_20 : vector<10000x12xf32>
    %logistic3A_21 = math.exp %logistic3A : vector<10000x12xf32>
    %logistic3A_22 = arith.constant 1.000000e+00 : f32
    %logistic3A_23 = vector.broadcast %logistic3A_22 : f32 to vector<10000x12xf32>
    %logistic3A_24 = arith.addf %logistic3A_23, %logistic3A_21 : vector<10000x12xf32>
    %logistic3A_25 = arith.divf %logistic3A_23, %logistic3A_24 : vector<10000x12xf32>
    %slice3A_26 = vector.extract_strided_slice %add3A {offsets = [0, 0], sizes = [10000, 16], strides = [1, 1]} : vector<10000x32xf32> to vector<10000x16xf32>
    %slice3A_27 = vector.extract_strided_slice %add3A {offsets = [0, 16], sizes = [10000, 12], strides = [1, 1]} : vector<10000x32xf32> to vector<10000x12xf32>
    %mul3A = arith.mulf %slice3A_27, %logistic3A_25 : vector<10000x12xf32>
    %concatenate3A = tpu.concatenate %slice3A_26, %mul3A in 1 : vector<10000x16xf32>, vector<10000x12xf32> -> vector<10000x28xf32>
    %add3A_28 = arith.addf %get3A_1, %concatenate3A : vector<10000x28xf32>
    %swap3A = arith.constant 0 : index
    %swap3A_29 = arith.constant 0 : index
    %swap3A_30 = vector.load %arg5[%swap3A, %swap3A_29] : memref<10000x28xf32, #tpu.memory_space<vmem>>, vector<10000x28xf32>
    tpu.vector_store %arg5[%swap3A, %swap3A_29], %add3A_28 {strides = array<i32>} : memref<10000x28xf32, #tpu.memory_space<vmem>>, vector<10000x28xf32>,
    return
  }
  func.func @transform_0(%arg0: i32) -> (i32, i32) {
    %c0_i32 = arith.constant 0 : i32
    %c0_i32_0 = arith.constant 0 : i32
    %c0_i32_1 = arith.constant 0 : i32
    return %c0_i32, %c0_i32_0 : i32, i32
  }
  func.func @transform_1(%arg0: i32) -> (i32, i32, i32) {
    %c0_i32 = arith.constant 0 : i32
    %c0_i32_0 = arith.constant 0 : i32
    %c0_i32_1 = arith.constant 0 : i32
    %c0_i32_2 = arith.constant 0 : i32
    return %c0_i32, %c0_i32_0, %c0_i32_1 : i32, i32, i32
  }
  func.func @transform_2(%arg0: i32) -> (i32, i32) {
    %c0_i32 = arith.constant 0 : i32
    %c0_i32_0 = arith.constant 0 : i32
    %c0_i32_1 = arith.constant 0 : i32
    return %c0_i32, %c0_i32_0 : i32, i32
  }
  func.func @transform_3(%arg0: i32) -> (i32, i32) {
    %c0_i32 = arith.constant 0 : i32
    %c0_i32_0 = arith.constant 0 : i32
    %c0_i32_1 = arith.constant 0 : i32
    return %c0_i32, %c0_i32_0 : i32, i32
  }
  func.func @transform_4(%arg0: i32) -> (i32, i32) {
    %c0_i32 = arith.constant 0 : i32
    %c0_i32_0 = arith.constant 0 : i32
    %c0_i32_1 = arith.constant 0 : i32
    return %c0_i32, %c0_i32_0 : i32, i32
  }
}

</mosaic_0001>

<sc_bundles>
// kernel: kernel.6.cloned.1.call-start
scs
__scs_entry_jumppad:
0x0: {  	(pc) =	sbr.rel $0x88, $3  }
0x1: {  	(tag) =	ssettag $0x0;
	lr =	simm.s32 $0x1  }
0x2: {  	[smem:$0x3F97] =	sst lr;
	_ =	strace $0xD0000000  }
0x3: {  	_ = 	snop  }
0x4: {  	_ = 	snop  }
0x5: {  	_ = 	snop  }
0x6: {  	_ = 	snop  }
0x7: {  	_ = 	snop  }
__scs_overlays_trampoline_lowered:
0x8: {  	[smem:$0x3FA6] =	sst s0  }
0x9: {  	[smem:$0x3FA7] =	sst s1  }
0xa: {  	[smem:$0x3FA8] =	sst s2  }
0xb: {  	[smem:$0x3FA9] =	sst s3  }
0xc: {  	[smem:$0x3FAA] =	sst s4  }
0xd: {  	[smem:$0x3FAB] =	sst s5  }
0xe: {  	[smem:$0x3FAC] =	sst s6  }
0xf: {  	[smem:$0x3FAD] =	sst s7  }
0x10: {  	[smem:$0x3FAE] =	sst s8  }
0x11: {  	[smem:$0x3FAF] =	sst s9;
	s0 =	simm.s32 @!p0 $0x0  }
0x12: {  	s1 =	sld [smem:$0x3F95];
	s0 =	simm.s32 @p0 $0x1  }
0x13: {  	[smem:$0x3FB0] =	sst s0;
	s0 =	simm.s32 @!p1 $0x0  }
0x14: {  	s2 =	sld [smem:$0x3F94];
	s0 =	simm.s32 @p1 $0x1  }
0x15: {  	[smem:$0x3FB1] =	sst s0;
	s0 =	simm.s32 @!p2 $0x0  }
0x16: {  	s3 =	sld [smem:$0x3FDB];
	s0 =	simm.s32 @p2 $0x1  }
0x17: {  	s4 =	simm.s32 $0x1BF5;
	[smem:$0x3FB3] =	sst s0  }
0x18: {  	s0 =	sld [smem:$0x3F96];
	_ =	swait.ge [sflag:s4], $0x0  }
0x19: {  	s7 =	sld [smem:$0x3F97]  }
0x1a: {  	s8 =	sadd.s32 $0xFFFFE003, lr  }
0x1b: {  	s9 =	sadd.s32 $0xFFFFFEF7, lr;
	s5 =	simm.s32 $0xFFFFFFFF;
	p2 =	slt.u32 s8, $0xFFFFF086  }
0x1c: {  	p1 =	slt.u32 s9, $0xF7A;
	s5 =	simm.s32 @!p2 $0x0  }
0x1d: {  	s5 =	simm.s32 @p1 $0x1;
	p0 =	seq.s32 s7, s2  }
0x1e: {  	s7 =	smul.u32 @!p0 $0xF7A, s2;
	p2 =	seq.s32 @!p0 s5, $0x0  }
0x1f: {  	s9 =	smul.u32 $0xF7A, s1;
	s8 =	simm.s32 @!p0 $0x1BF5;
	p2 =	por !p2, p0  }
0x20: {  	[sflag:s8] =	ssyncset.s32 @!p0 $0xFFFFF086;
	s6 =	sadd.s32 @!p0 s3, s7;
	s7 =	simm.s32 @!p0 $0x108  }
0x21: {  	s3 =	sadd.s32 s3, s9;
	s6 =	sadd.s32 @!p0 $0x88, s6;
	s7 =	simm.s32 @p2 $0x1082  }
0x22: {  	[simem:s7], [sflag:s8] =	dma.local @!p0 [hbm:s6], $0xF7A  }
0x23: {  	s9 =	sor.u32 $0xD0000000, s2;
	s6 =	simm.s32 $0x108;
	_ =	swait.ge @!p0 [sflag:s8], $0x0  }
0x24: {  	s3 =	sadd.s32 $0x88, s3;
	s6 =	simm.s32 @!p1 $0x1082;
	[sflag:s4] =	ssyncset.s32 $0xFFFFF086  }
0x25: {  	[simem:s6], [sflag:s4] =	dma.local [hbm:s3], $0xF7A  }
0x26: {  	[smem:$0x3F97] =	sst s1;
	(tag) =	ssettag s2;
	_ =	strace s9  }
0x27: {  	s1 =	sld [smem:$0x3FA7]  }
0x28: {  	s2 =	sld [smem:$0x3FA8]  }
0x29: {  	s4 =	sld [smem:$0x3FAA]  }
0x2a: {  	p0 =	seq.s32 s5, $0x0;
	s5 =	sld [smem:$0x3FAB]  }
0x2b: {  	s6 =	sld [smem:$0x3FAC]  }
0x2c: {  	s7 =	sld [smem:$0x3FAD]  }
0x2d: {  	s3 =	simm.s32 $0x108;
	s8 =	sld [smem:$0x3FAE]  }
0x2e: {  	s3 =	simm.s32 @!p0 $0x1082;
	s9 =	sld [smem:$0x3FAF]  }
0x2f: {  	lr =	sadd.s32 s0, s3;
	s0 =	sld [smem:$0x3FA6]  }
0x30: {  	s3 =	sld [smem:$0x3FA9]  }
0x31: {  	[smem:$0x3FB2] =	sst s10  }
0x32: {  	s10 =	sld [smem:$0x3FB0];
	_ =	sdelay $0x3  }
0x33: {  	p0 =	seq.s32 s10, $0x1;
	s10 =	sld [smem:$0x3FB2];
	_ =	sdelay $0x3  }
0x34: {  	[smem:$0x3FB2] =	sst s10  }
0x35: {  	s10 =	sld [smem:$0x3FB1];
	_ =	sdelay $0x3  }
0x36: {  	p1 =	seq.s32 s10, $0x1;
	s10 =	sld [smem:$0x3FB2];
	_ =	sdelay $0x3  }
0x37: {  	[smem:$0x3FB2] =	sst s10  }
0x38: {  	s10 =	sld [smem:$0x3FB3]  }
0x39: {  	_ = 	snop;
	(pc) =	sbr.ind lr, $3  }
0x3a: {  	_ = 	snop  }
0x3b: {  	_ = 	snop  }
0x3c: {  	p2 =	seq.s32 s10, $0x1;
	s10 =	sld [smem:$0x3FB2]  }
0x3d: {  	_ =	shalt  }
0x3e: {  	_ =	shalt  }
0x3f: {  	_ =	shalt  }
0x40: {  	_ =	shalt  }
0x41: {  	_ =	shalt  }
0x42: {  	_ =	shalt  }
0x43: {  	_ =	shalt  }
0x44: {  	_ =	shalt  }
0x45: {  	_ =	shalt  }
0x46: {  	_ =	shalt  }
0x47: {  	_ =	shalt  }
0x48: {  	_ =	shalt  }
0x49: {  	_ =	shalt  }
0x4a: {  	_ =	shalt  }
0x4b: {  	_ =	shalt  }
0x4c: {  	_ =	shalt  }
0x4d: {  	_ =	shalt  }
0x4e: {  	_ =	shalt  }
0x4f: {  	_ =	shalt  }
0x50: {  	_ =	shalt  }
0x51: {  	_ =	shalt  }
0x52: {  	_ =	shalt  }
0x53: {  	_ =	shalt  }
0x54: {  	_ =	shalt  }
0x55: {  	_ =	shalt  }
0x56: {  	_ =	shalt  }
0x57: {  	_ =	shalt  }
0x58: {  	_ =	shalt  }
0x59: {  	_ =	shalt  }
0x5a: {  	_ =	shalt  }
0x5b: {  	_ =	shalt  }
0x5c: {  	_ =	shalt  }
0x5d: {  	_ =	shalt  }
0x5e: {  	_ =	shalt  }
0x5f: {  	_ =	shalt  }
0x60: {  	_ =	shalt  }
0x61: {  	_ =	shalt  }
0x62: {  	_ =	shalt  }
0x63: {  	_ =	shalt  }
0x64: {  	_ =	shalt  }
0x65: {  	_ =	shalt  }
0x66: {  	_ =	shalt  }
0x67: {  	_ =	shalt  }
0x68: {  	_ =	shalt  }
0x69: {  	_ =	shalt  }
0x6a: {  	_ =	shalt  }
0x6b: {  	_ =	shalt  }
0x6c: {  	_ =	shalt  }
0x6d: {  	_ =	shalt  }
0x6e: {  	_ =	shalt  }
0x6f: {  	_ =	shalt  }
0x70: {  	_ =	shalt  }
0x71: {  	_ =	shalt  }
0x72: {  	_ =	shalt  }
0x73: {  	_ =	shalt  }
0x74: {  	_ =	shalt  }
0x75: {  	_ =	shalt  }
0x76: {  	_ =	shalt  }
0x77: {  	_ =	shalt  }
0x78: {  	_ =	shalt  }
0x79: {  	_ =	shalt  }
0x7a: {  	_ =	shalt  }
0x7b: {  	_ =	shalt  }
0x7c: {  	_ =	shalt  }
0x7d: {  	_ =	shalt  }
0x7e: {  	_ =	shalt  }
0x7f: {  	_ =	shalt  }
0x80: {  	_ =	shalt  }
0x81: {  	_ =	shalt  }
0x82: {  	_ =	shalt  }
0x83: {  	_ =	shalt  }
0x84: {  	_ =	shalt  }
0x85: {  	_ =	shalt  }
0x86: {  	_ =	shalt  }
0x87: {  	_ =	shalt  }
.Lfunc_end0:
.L_simem_size_0:
called_computation_lowered:
.L_overlay_start_0:
0x88: {  	s2 =	sld [smem:$0x3FD9]  }
0x89: {  	s3 =	sld [smem:$0x3FFE];
	_ =	sdelay $0x1  }
0x8a: {  	s1 =	srdreg.scid  }
0x8b: {  	s0 =	sand.u32 $0x1, s1  }
0x8c: {  	s17 =	sshll.u32 s0, $0xA;
	s2 =	sadd.s32 s3, s2  }
0x8d: {  	s2 =	sadd.s32 s2, s17  }
0x8e: {  	[smem:$0x3FBE] =	sst s2  }
0x8f: {  	_ = 	snop  }
0x90: {  	s2 =	sld [smem:$0x3FD0];
	(tm) =	ssettm $0x1  }
0x91: {  	s18 =	sld [smem:$0x3FFB];
	_ =	sdelay $0x3  }
0x92: {  	_ =	strace s18  }
0x93: {  	s3 =	sld [smem:$0x3FFC];
	_ =	sdelay $0x3  }
0x94: {  	_ =	strace s3  }
0x95: {  	s3 =	sld [smem:$0x3FFD];
	_ =	sdelay $0x3  }
0x96: {  	_ =	strace s3  }
0x97: {  	_ =	strace $0x8FFFFFFF  }
0x98: {  	s19 =	sld [smem:$0x3FDB];
	_ =	sdelay $0x1  }
0x99: {  	s4 =	simm.s32 $_scs_section_size  }
0x9a: {  	s5 =	simm.s32 $_size__tile_overlayer_lowered;
	s6 =	simm.s32 $_tile_overlayer_lowered  }
0x9b: {  	s22 =	simm.s32 $0x1BFF;
	s21 =	sshll.u32 s6, $0x1;
	s3 =	sadd.s32 s4, s19  }
0x9c: {  	s7 =	simm.s32 $0x0;
	s20 =	sshll.u32 s5, $0x1;
	s5 =	sadd.s32 s21, s3  }
0x9d: {  	[timem:s7], [sflag:s22] =	dma.local [hbm:s5], s20  }
0x9e: {  	_ =	swait.ge [sflag:s22], s20  }
0x9f: {  	s4 =	ssub.s32 $0x0, s20;
	[sflag:s22] =	ssyncset.done $0x0  }
0xa0: {  	[sflag:s22] =	ssyncadd.s32 s4;
	_ =	sdelay $0x1  }
0xa1: {  	s23 =	simm.s32 $0x1B8B  }
0xa2: {  	_ =	swait.ge [sflag:s23], $0x1  }
0xa3: {  	[sflag:s23] =	ssyncset.done $0x0  }
0xa4: {  	s25 =	simm.s32 $0x1B8E;
	s24 =	sld [smem:$0x3FFE];
	[sflag:s23] =	ssyncadd.s32 $0xFFFFFFFF  }
0xa5: {  	s26 =	simm.s32 $execute0_lowered;
	[smem:$0x3FD2] =	sst s25  }
0xa6: {  	s5 =	sshll.u32 s26, $0x1;
	_ =	strace $0x80000046;
	[dreg:$0x1] =	wrdreg $0xFFFFFFFF  }
0xa7: {  	s28 =	simm.s32 $_size_execute0_lowered;
	s3 =	sadd.s32 s3, s5;
	[dreg:$0x0] =	wrdreg $0x0  }
0xa8: {  	s5 =	sshll.u32 s28, $0x1;
	[dreg:$0x2] =	wrdreg s3  }
0xa9: {  	[dreg:$0x3] =	wrdreg s5  }
0xaa: {  	[dreg:$0x4] =	wrdreg $0xC0  }
0xab: {  	_ =	task [dreg:s7], $0x5FFFF  }
0xac: {  	[dreg:$0x1] =	wrdreg $0xFFFFFFFF  }
0xad: {  	[dreg:$0x0] =	wrdreg $0x60  }
0xae: {  	[dreg:$0x2] =	wrdreg s2  }
0xaf: {  	[dreg:$0x3] =	wrdreg s24  }
0xb0: {  	[dreg:$0x4] =	wrdreg $0x9  }
0xb1: {  	_ =	task.clear_ibuf [dreg:s7], $0x5FFFF;
	_ =	strace $0x90000046  }
0xb2: {  	s29 =	simm.s32 $0x9;
	_ =	strace $0x80000048  }
0xb3: {  	_ =	swait.ge [sflag:s29], $0x1  }
0xb4: {  	[sflag:s29] =	ssyncadd.s32 $0xFFFFFFFF  }
0xb5: {  	_ =	strace $0x90000048  }
0xb6: {  	_ =	sfence  }
0xb7: {  	s30 =	sld [smem:$0x0];
	_ =	sdelay $0x2  }
0xb8: {  	s31 =	sshll.u32 s1, $0xD;
	s1 =	sshrl.u32 s1, $0x2  }
0xb9: {  	s3 =	sand.u32 $0x4000, s31;
	s1 =	sadd.s32 s1, s30  }
0xba: {  	s0 =	sor.u32 s3, s0;
	s1 =	sshll.u32 s1, $0x11  }
0xbb: {  	s0 =	sor.u32 s1, s0  }
0xbc: {  	s0 =	sadd.s32 $0x8F2B, s0  }
0xbd: {  	[sflag:s0] =	ssyncadd.remote.s32 $0x1  }
0xbe: {  	_ =	sfence.sel $0xFFFF  }
0xbf: {  	[dreg:$0x0] =	wrdreg $0xFFFFFFFF;
	(pc) =	sbr.abs _section_cstart, $3  }
0xc0: {  	[dreg:$0x1] =	wrdreg $0xFFFFFFFF  }
0xc1: {  	_ =	task.clear_ibuf [dreg:s7], $0x2FFFF;
	_ =	strace $0x9FFFFFFF  }
0xc2: {  	(tm) =	ssettm $0x7FFFFFFF  }
0xc3: {  	_ =	shalt  }
tec
execute0_lowered:
.L_overlay_start_1:
0x0: {  	(tag) =	ssettag $0x1  }
0x1: {  	s2 =	rddreg [dreg:$0x0];
	s0 =	srdreg.scid  }
0x2: {  	s11 =	stileid.u32;
	s1 =	rddreg [dreg:$0x1]  }
0x3: {  	s3 =	simm.s32 $0x0;
	s14 =	simm.s32 $0x9;
	s15 =	simm.s32 $0x7D  }
0x4: {  	s16 =	simm.s32 $0x1400;
	s18 =	simm.s32 $0x23A0;
	s20 =	simm.s32 $0x3340  }
0x5: {  	s22 =	simm.s32 $0x42E0;
	s23 =	simm.s32 $0x1;
	s7 =	smul.u32 $0x2710, s11  }
0x6: {  	s0 =	sand.u32 $0x1, s0;
	s4 =	sshll.u32 s11, $0x1;
	s11 =	smul.u32 $0x9C40, s11  }
0x7: {  	s28 =	simm.s32 $0x3;
	s29 =	simm.s32 $0x7;
	s9 =	smul.u32 $0x1388, s0  }
0x8: {  	s4 =	sor.u32 s0, s4;
	s25 =	ssub.s32 $0x2, s0;
	s0 =	smul.u32 $0x4E20, s0  }
0x9: {  	s30 =	simm.s32 $0x4;
	[smem:$0x7FF] =	sst s3;
	s5 =	smul.u32 $0x280, s4  }
0xa: {  	s31 =	simm.s32 $0x8;
	_ =	strace $0x80000047;
	s6 =	smul.u32 $0x4E20, s4  }
0xb: {  	s8 =	sshrl.u32 s25, $0x1;
	s26 =	sadd.s32 s9, s7;
	s24 =	sadd.s32 s5, s1  }
0xc: {  	s1 =	sadd.s32 $0x2F400, s1;
	s5 =	ssub.s32 s25, s8;
	s9 =	sshll.u32 s26, $0x2  }
0xd: {  	s25 =	simm.s32 $0x2;
	s26 =	simm.s32 $0x6;
	s4 =	sadd.s32 $0x2A400, s24  }
0xe: {  	s10 =	sadd.s32 s1, s6;
	s5 =	smax.u32 s5, $0x1;
	s12 =	sadd.s32 s1, s9  }
0xf: {  	s1 =	sadd.s32 s11, s1;
	s24 =	simm.s32 $0x5;
	[dreg:$0x3] =	wrdreg s4  }
0x10: {  	s6 =	sadd.s32 $0x4650, s10;
	s7 =	sadd.s32 $0x4844, s10;
	s8 =	sadd.s32 $0x4A38, s10  }
0x11: {  	s9 =	sadd.s32 $0x4C2C, s10;
	s10 =	sadd.s32 $0x5DC, s12;
	s11 =	sadd.s32 $0x3E8, s12  }
0x12: {  	s12 =	sadd.s32 $0x1F4, s12;
	s13 =	sadd.s32 s0, s1;
	s1 =	simm.s32 $0x0  }
.LBB2_1:
0x13: {  	s0 =	rddreg [dreg:$0x3]  }
0x14: {  	[tilespmem:s3], [sflag:$0x9] =	stream.linear.gather [hbm4b:s0+s3], $0x1400, $0x38;
	[tilespmem:$0x5280] =	vst v63  }
0x15: {  	_ =	swait.ge [sflag:s14], $0x1400  }
0x16: {  	[sflag:s14] =	ssyncset.done $0x0  }
0x17: {  	[sflag:s14] =	ssyncadd.s32 $0xFFFFEC00  }
0x18: {  	[tilespmem:s16], [sflag:$0x1] =	stream.indirect.gather [hbm4b:s2+s15], $0x20, s3, s15, $0xb8;
	[tilespmem:$0x5280] =	vst v63  }
0x19: {  	s19 =	simm.s32 $0x80  }
0x1a: {  	[tilespmem:s18], [sflag:$0x2] =	stream.indirect.gather [hbm4b:s2+s15], $0x20, s19, s15, $0xb8;
	[tilespmem:$0x5280] =	vst v63  }
0x1b: {  	s21 =	simm.s32 $0x100  }
0x1c: {  	[tilespmem:s20], [sflag:$0x3] =	stream.indirect.gather [hbm4b:s2+s15], $0x20, s21, s15, $0xb8;
	[tilespmem:$0x5280] =	vst v63  }
0x1d: {  	s4 =	simm.s32 $0x180  }
0x1e: {  	[tilespmem:s22], [sflag:$0x4] =	stream.indirect.gather [hbm4b:s2+s15], $0x20, s4, s15, $0xb8;
	[tilespmem:$0x5280] =	vst v63  }
0x1f: {  	_ =	swait.ge [sflag:s23], $0xFA0  }
0x20: {  	[sflag:s23] =	ssyncset.done $0x0  }
0x21: {  	s17 =	sadd.s32 $0x0, s13;
	[sflag:s23] =	ssyncadd.s32 $0xFFFFF060  }
0x22: {  	[hbm4b:s17+s3] =	stream.linear.scatter [tilespmem:s16], [sflag:$0x5], $0xFA0, $0x38;
	[tilespmem:$0x5280] =	vst v63  }
0x23: {  	_ =	swait.ge [sflag:s24], $0xFA0  }
0x24: {  	[sflag:s24] =	ssyncset.done $0x0  }
0x25: {  	s19 =	simm.s32 $0x200;
	[sflag:s24] =	ssyncadd.s32 $0xFFFFF060  }
0x26: {  	[tilespmem:s16], [sflag:$0x1] =	stream.indirect.gather [hbm4b:s2+s15], $0x20, s19, s15, $0xb8;
	[tilespmem:$0x5280] =	vst v63  }
0x27: {  	_ =	swait.ge [sflag:s25], $0xFA0  }
0x28: {  	[sflag:s25] =	ssyncset.done $0x0  }
0x29: {  	s21 =	sadd.s32 $0x0, s12;
	[sflag:s25] =	ssyncadd.s32 $0xFFFFF060  }
0x2a: {  	[hbm4b:s21+s3] =	stream.linear.scatter [tilespmem:s18], [sflag:$0x6], $0xFA0, $0x38;
	[tilespmem:$0x5280] =	vst v63  }
0x2b: {  	_ =	swait.ge [sflag:s26], $0xFA0  }
0x2c: {  	[sflag:s26] =	ssyncset.done $0x0  }
0x2d: {  	s4 =	simm.s32 $0x280;
	[sflag:s26] =	ssyncadd.s32 $0xFFFFF060  }
0x2e: {  	[tilespmem:s18], [sflag:$0x2] =	stream.indirect.gather [hbm4b:s2+s15], $0x20, s4, s15, $0xb8;
	[tilespmem:$0x5280] =	vst v63  }
0x2f: {  	_ =	swait.ge [sflag:s28], $0xFA0  }
0x30: {  	[sflag:s28] =	ssyncset.done $0x0  }
0x31: {  	s17 =	sadd.s32 $0x0, s11;
	[sflag:s28] =	ssyncadd.s32 $0xFFFFF060  }
0x32: {  	[hbm4b:s17+s3] =	stream.linear.scatter [tilespmem:s20], [sflag:$0x7], $0xFA0, $0x38;
	[tilespmem:$0x5280] =	vst v63  }
0x33: {  	_ =	swait.ge [sflag:s29], $0xFA0  }
0x34: {  	[sflag:s29] =	ssyncset.done $0x0  }
0x35: {  	s19 =	simm.s32 $0x300;
	[sflag:s29] =	ssyncadd.s32 $0xFFFFF060  }
0x36: {  	[tilespmem:s20], [sflag:$0x3] =	stream.indirect.gather [hbm4b:s2+s15], $0x20, s19, s15, $0xb8;
	[tilespmem:$0x5280] =	vst v63  }
0x37: {  	_ =	swait.ge [sflag:s30], $0xFA0  }
0x38: {  	[sflag:s30] =	ssyncset.done $0x0  }
0x39: {  	s21 =	sadd.s32 $0x0, s10;
	[sflag:s30] =	ssyncadd.s32 $0xFFFFF060  }
0x3a: {  	[hbm4b:s21+s3] =	stream.linear.scatter [tilespmem:s22], [sflag:$0x8], $0xFA0, $0x38;
	[tilespmem:$0x5280] =	vst v63  }
0x3b: {  	_ =	swait.ge [sflag:s31], $0xFA0  }
0x3c: {  	s0 =	simm.s32 $0x380;
	[sflag:s31] =	ssyncset.done $0x0  }
0x3d: {  	s17 =	simm.s32 $0x7D0;
	s19 =	simm.s32 $0x580;
	[sflag:s31] =	ssyncadd.s32 $0xFFFFF060  }
.LBB2_2:
0x3e: {  	[tilespmem:s22], [sflag:$0x4] =	stream.indirect.gather [hbm4b:s2+s15], $0x20, s0, s15, $0xb8;
	[tilespmem:$0x5280] =	vst v63  }
0x3f: {  	s21 =	smov.u32 s17;
	s0 =	smov.u32 s19  }
0x40: {  	p0 =	sne.s32 s17, $0x3E80;
	s17 =	sadd.s32 $0x7D0, s17;
	_ =	swait.ge [sflag:s23], $0xFA0  }
0x41: {  	[sflag:s23] =	ssyncset.done $0x0  }
0x42: {  	s4 =	sadd.s32 s21, s13;
	[sflag:s23] =	ssyncadd.s32 $0xFFFFF060  }
0x43: {  	[hbm4b:s4+s3] =	stream.linear.scatter [tilespmem:s16], [sflag:$0x5], $0xFA0, $0x38;
	[tilespmem:$0x5280] =	vst v63  }
0x44: {  	_ =	swait.ge [sflag:s24], $0xFA0  }
0x45: {  	[sflag:s24] =	ssyncset.done $0x0  }
0x46: {  	s4 =	sadd.s32 $0xFFFFFE80, s19;
	[sflag:s24] =	ssyncadd.s32 $0xFFFFF060  }
0x47: {  	[tilespmem:s16], [sflag:$0x1] =	stream.indirect.gather [hbm4b:s2+s15], $0x20, s4, s15, $0xb8;
	[tilespmem:$0x5280] =	vst v63  }
0x48: {  	_ =	swait.ge [sflag:s25], $0xFA0  }
0x49: {  	[sflag:s25] =	ssyncset.done $0x0  }
0x4a: {  	s4 =	sadd.s32 s21, s12;
	[sflag:s25] =	ssyncadd.s32 $0xFFFFF060  }
0x4b: {  	[hbm4b:s4+s3] =	stream.linear.scatter [tilespmem:s18], [sflag:$0x6], $0xFA0, $0x38;
	[tilespmem:$0x5280] =	vst v63  }
0x4c: {  	_ =	swait.ge [sflag:s26], $0xFA0  }
0x4d: {  	[sflag:s26] =	ssyncset.done $0x0  }
0x4e: {  	s4 =	sadd.s32 $0xFFFFFF00, s19;
	[sflag:s26] =	ssyncadd.s32 $0xFFFFF060  }
0x4f: {  	[tilespmem:s18], [sflag:$0x2] =	stream.indirect.gather [hbm4b:s2+s15], $0x20, s4, s15, $0xb8;
	[tilespmem:$0x5280] =	vst v63  }
0x50: {  	_ =	swait.ge [sflag:s28], $0xFA0  }
0x51: {  	[sflag:s28] =	ssyncset.done $0x0  }
0x52: {  	s4 =	sadd.s32 s21, s11;
	[sflag:s28] =	ssyncadd.s32 $0xFFFFF060  }
0x53: {  	[hbm4b:s4+s3] =	stream.linear.scatter [tilespmem:s20], [sflag:$0x7], $0xFA0, $0x38;
	[tilespmem:$0x5280] =	vst v63  }
0x54: {  	_ =	swait.ge [sflag:s29], $0xFA0  }
0x55: {  	[sflag:s29] =	ssyncset.done $0x0  }
0x56: {  	s4 =	sadd.s32 $0xFFFFFF80, s19;
	[sflag:s29] =	ssyncadd.s32 $0xFFFFF060  }
0x57: {  	[tilespmem:s20], [sflag:$0x3] =	stream.indirect.gather [hbm4b:s2+s15], $0x20, s4, s15, $0xb8;
	[tilespmem:$0x5280] =	vst v63  }
0x58: {  	_ =	swait.ge [sflag:s30], $0xFA0  }
0x59: {  	[sflag:s30] =	ssyncset.done $0x0  }
.Ltmp0:
0x5a: {  	s4 =	sadd.s32 s21, s10;
	[sflag:s30] =	ssyncadd.s32 $0xFFFFF060;
	(pc) =	sbr.rel @p0 .LBB2_2-.Ltmp0, $4  }
0x5b: {  	[hbm4b:s4+s3] =	stream.linear.scatter [tilespmem:s22], [sflag:$0x8], $0xFA0, $0x38;
	[tilespmem:$0x5280] =	vst v63  }
0x5c: {  	_ =	swait.ge [sflag:s31], $0xFA0  }
0x5d: {  	[sflag:s31] =	ssyncset.done $0x0  }
0x5e: {  	s19 =	sadd.s32 $0x200, s19;
	[sflag:s31] =	ssyncadd.s32 $0xFFFFF060  }
0x5f: {  	[tilespmem:s22], [sflag:$0x4] =	stream.indirect.gather [hbm4b:s2+s15], $0x20, s0, s15, $0xb8;
	[tilespmem:$0x5280] =	vst v63  }
0x60: {  	_ =	swait.ge [sflag:s23], $0xFA0  }
0x61: {  	[sflag:s23] =	ssyncset.done $0x0  }
0x62: {  	[sflag:s23] =	ssyncadd.s32 $0xFFFFF060  }
0x63: {  	[hbm4b:s6+s3] =	stream.linear.scatter [tilespmem:s16], [sflag:$0x5], $0xFA0, $0x38;
	[tilespmem:$0x5280] =	vst v63  }
0x64: {  	_ =	swait.ge [sflag:s25], $0xFA0  }
0x65: {  	[sflag:s25] =	ssyncset.done $0x0  }
0x66: {  	[sflag:s25] =	ssyncadd.s32 $0xFFFFF060  }
0x67: {  	[hbm4b:s7+s3] =	stream.linear.scatter [tilespmem:s18], [sflag:$0x6], $0xFA0, $0x38;
	[tilespmem:$0x5280] =	vst v63  }
0x68: {  	_ =	swait.ge [sflag:s28], $0xFA0  }
0x69: {  	[sflag:s28] =	ssyncset.done $0x0  }
0x6a: {  	[sflag:s28] =	ssyncadd.s32 $0xFFFFF060  }
0x6b: {  	[hbm4b:s8+s3] =	stream.linear.scatter [tilespmem:s20], [sflag:$0x7], $0xFA0, $0x38;
	[tilespmem:$0x5280] =	vst v63  }
0x6c: {  	_ =	swait.ge [sflag:s30], $0xFA0  }
0x6d: {  	[sflag:s30] =	ssyncset.done $0x0  }
0x6e: {  	[sflag:s30] =	ssyncadd.s32 $0xFFFFF060  }
0x6f: {  	[hbm4b:s9+s3] =	stream.linear.scatter [tilespmem:s22], [sflag:$0x8], $0xFA0, $0x38;
	[tilespmem:$0x5280] =	vst v63  }
0x70: {  	_ =	swait.ge [sflag:s24], $0xFA0  }
0x71: {  	[sflag:s24] =	ssyncset.done $0x0  }
0x72: {  	[sflag:s24] =	ssyncadd.s32 $0xFFFFF060  }
0x73: {  	_ =	swait.ge [sflag:s26], $0xFA0  }
0x74: {  	[sflag:s26] =	ssyncset.done $0x0  }
0x75: {  	s1 =	sadd.s32 $0x1, s1;
	[sflag:s26] =	ssyncadd.s32 $0xFFFFF060  }
0x76: {  	p0 =	sne.s32 s1, s5;
	_ =	swait.ge [sflag:s29], $0xFA0  }
.Ltmp1:
0x77: {  	[sflag:s29] =	ssyncset.done $0x0;
	(pc) =	sbr.rel @p0 .LBB2_1-.Ltmp1, $4  }
0x78: {  	[sflag:s29] =	ssyncadd.s32 $0xFFFFF060  }
0x79: {  	_ =	swait.ge [sflag:s31], $0xFA0  }
0x7a: {  	[sflag:s31] =	ssyncset.done $0x0  }
0x7b: {  	[sflag:s31] =	ssyncadd.s32 $0xFFFFF060  }
0x7c: {  	_ =	sfence.sel $0x180000  }
0x7d: {  	[bflag:$0x0] =	sbarrier.arrive $0xFFFF  }
0x7e: {  	_ =	strace $0x90000047  }
0x7f: {  	s0 =	stileid.u32;
	[bflag:$0x2] =	sbarrier.arrive $0xFFFF  }
0x80: {  	p0 =	sne.s32 s0, $0x0;
	s0 =	rddreg [dreg:$0x2]  }
0x81: {  	s0 =	sadd.s32 @!p0 $0x100000, s0  }
0x82: {  	[sflag:s0] =	ssyncadd.tile.s32 @!p0 $0x1;
	_ =	shalt  }
.Lfunc_end2:
_tile_overlayer_lowered:
.L_overlay_start_2:
0x83: {  	(tag) =	ssettag $0x2  }
0x84: {  	s0 =	rddreg [dreg:$0x0];
	s2 =	stileid.u32  }
0x85: {  	s1 =	rddreg [dreg:$0x1];
	p0 =	sne.s32 s2, $0x0  }
0x86: {  	s3 =	rddreg [dreg:$0x2];
	[bflag:$0x3] =	sbarrier.arrive $0xFFFF;
	s2 =	simm.s32 @!p0 $0x1C09  }
0x87: {  	[timem:s3], [sflag:s2] =	dma.local @!p0 [hbm:s0], s1  }
0x88: {  	s0 =	simm.s32 @!p0 $0x9  }
0x89: {  	_ =	swait.ge @!p0 [sflag:s0], s1  }
0x8a: {  	s1 =	ssub.s32 @!p0 $0x0, s1;
	[sflag:s0] =	ssyncset.done @!p0 $0x0  }
0x8b: {  	[sflag:s0] =	ssyncadd.s32 @!p0 s1  }
0x8c: {  	[bflag:$0x3] =	sbarrier.arrive $0xFFFF  }
0x8d: {  	_ =	shalt  }

// kernel: kernel.9.cloned.1.call-start
scs
__scs_entry_jumppad:
0x0: {  	(pc) =	sbr.rel $0x88, $3  }
0x1: {  	(tag) =	ssettag $0x0;
	lr =	simm.s32 $0x1  }
0x2: {  	[smem:$0x3F97] =	sst lr;
	_ =	strace $0xD0000000  }
0x3: {  	_ = 	snop  }
0x4: {  	_ = 	snop  }
0x5: {  	_ = 	snop  }
0x6: {  	_ = 	snop  }
0x7: {  	_ = 	snop  }
__scs_overlays_trampoline_lowered:
0x8: {  	[smem:$0x3FA6] =	sst s0  }
0x9: {  	[smem:$0x3FA7] =	sst s1  }
0xa: {  	[smem:$0x3FA8] =	sst s2  }
0xb: {  	[smem:$0x3FA9] =	sst s3  }
0xc: {  	[smem:$0x3FAA] =	sst s4  }
0xd: {  	[smem:$0x3FAB] =	sst s5  }
0xe: {  	[smem:$0x3FAC] =	sst s6  }
0xf: {  	[smem:$0x3FAD] =	sst s7  }
0x10: {  	[smem:$0x3FAE] =	sst s8  }
0x11: {  	[smem:$0x3FAF] =	sst s9;
	s0 =	simm.s32 @!p0 $0x0  }
0x12: {  	s1 =	sld [smem:$0x3F95];
	s0 =	simm.s32 @p0 $0x1  }
0x13: {  	[smem:$0x3FB0] =	sst s0;
	s0 =	simm.s32 @!p1 $0x0  }
0x14: {  	s2 =	sld [smem:$0x3F94];
	s0 =	simm.s32 @p1 $0x1  }
0x15: {  	[smem:$0x3FB1] =	sst s0;
	s0 =	simm.s32 @!p2 $0x0  }
0x16: {  	s3 =	sld [smem:$0x3FDB];
	s0 =	simm.s32 @p2 $0x1  }
0x17: {  	s4 =	simm.s32 $0x1BF5;
	[smem:$0x3FB3] =	sst s0  }
0x18: {  	s0 =	sld [smem:$0x3F96];
	_ =	swait.ge [sflag:s4], $0x0  }
0x19: {  	s7 =	sld [smem:$0x3F97]  }
0x1a: {  	s8 =	sadd.s32 $0xFFFFE003, lr  }
0x1b: {  	s9 =	sadd.s32 $0xFFFFFEF7, lr;
	s5 =	simm.s32 $0xFFFFFFFF;
	p2 =	slt.u32 s8, $0xFFFFF086  }
0x1c: {  	p1 =	slt.u32 s9, $0xF7A;
	s5 =	simm.s32 @!p2 $0x0  }
0x1d: {  	s5 =	simm.s32 @p1 $0x1;
	p0 =	seq.s32 s7, s2  }
0x1e: {  	s7 =	smul.u32 @!p0 $0xF7A, s2;
	p2 =	seq.s32 @!p0 s5, $0x0  }
0x1f: {  	s9 =	smul.u32 $0xF7A, s1;
	s8 =	simm.s32 @!p0 $0x1BF5;
	p2 =	por !p2, p0  }
0x20: {  	[sflag:s8] =	ssyncset.s32 @!p0 $0xFFFFF086;
	s6 =	sadd.s32 @!p0 s3, s7;
	s7 =	simm.s32 @!p0 $0x108  }
0x21: {  	s3 =	sadd.s32 s3, s9;
	s6 =	sadd.s32 @!p0 $0x88, s6;
	s7 =	simm.s32 @p2 $0x1082  }
0x22: {  	[simem:s7], [sflag:s8] =	dma.local @!p0 [hbm:s6], $0xF7A  }
0x23: {  	s9 =	sor.u32 $0xD0000000, s2;
	s6 =	simm.s32 $0x108;
	_ =	swait.ge @!p0 [sflag:s8], $0x0  }
0x24: {  	s3 =	sadd.s32 $0x88, s3;
	s6 =	simm.s32 @!p1 $0x1082;
	[sflag:s4] =	ssyncset.s32 $0xFFFFF086  }
0x25: {  	[simem:s6], [sflag:s4] =	dma.local [hbm:s3], $0xF7A  }
0x26: {  	[smem:$0x3F97] =	sst s1;
	(tag) =	ssettag s2;
	_ =	strace s9  }
0x27: {  	s1 =	sld [smem:$0x3FA7]  }
0x28: {  	s2 =	sld [smem:$0x3FA8]  }
0x29: {  	s4 =	sld [smem:$0x3FAA]  }
0x2a: {  	p0 =	seq.s32 s5, $0x0;
	s5 =	sld [smem:$0x3FAB]  }
0x2b: {  	s6 =	sld [smem:$0x3FAC]  }
0x2c: {  	s7 =	sld [smem:$0x3FAD]  }
0x2d: {  	s3 =	simm.s32 $0x108;
	s8 =	sld [smem:$0x3FAE]  }
0x2e: {  	s3 =	simm.s32 @!p0 $0x1082;
	s9 =	sld [smem:$0x3FAF]  }
0x2f: {  	lr =	sadd.s32 s0, s3;
	s0 =	sld [smem:$0x3FA6]  }
0x30: {  	s3 =	sld [smem:$0x3FA9]  }
0x31: {  	[smem:$0x3FB2] =	sst s10  }
0x32: {  	s10 =	sld [smem:$0x3FB0];
	_ =	sdelay $0x3  }
0x33: {  	p0 =	seq.s32 s10, $0x1;
	s10 =	sld [smem:$0x3FB2];
	_ =	sdelay $0x3  }
0x34: {  	[smem:$0x3FB2] =	sst s10  }
0x35: {  	s10 =	sld [smem:$0x3FB1];
	_ =	sdelay $0x3  }
0x36: {  	p1 =	seq.s32 s10, $0x1;
	s10 =	sld [smem:$0x3FB2];
	_ =	sdelay $0x3  }
0x37: {  	[smem:$0x3FB2] =	sst s10  }
0x38: {  	s10 =	sld [smem:$0x3FB3]  }
0x39: {  	_ = 	snop;
	(pc) =	sbr.ind lr, $3  }
0x3a: {  	_ = 	snop  }
0x3b: {  	_ = 	snop  }
0x3c: {  	p2 =	seq.s32 s10, $0x1;
	s10 =	sld [smem:$0x3FB2]  }
0x3d: {  	_ =	shalt  }
0x3e: {  	_ =	shalt  }
0x3f: {  	_ =	shalt  }
0x40: {  	_ =	shalt  }
0x41: {  	_ =	shalt  }
0x42: {  	_ =	shalt  }
0x43: {  	_ =	shalt  }
0x44: {  	_ =	shalt  }
0x45: {  	_ =	shalt  }
0x46: {  	_ =	shalt  }
0x47: {  	_ =	shalt  }
0x48: {  	_ =	shalt  }
0x49: {  	_ =	shalt  }
0x4a: {  	_ =	shalt  }
0x4b: {  	_ =	shalt  }
0x4c: {  	_ =	shalt  }
0x4d: {  	_ =	shalt  }
0x4e: {  	_ =	shalt  }
0x4f: {  	_ =	shalt  }
0x50: {  	_ =	shalt  }
0x51: {  	_ =	shalt  }
0x52: {  	_ =	shalt  }
0x53: {  	_ =	shalt  }
0x54: {  	_ =	shalt  }
0x55: {  	_ =	shalt  }
0x56: {  	_ =	shalt  }
0x57: {  	_ =	shalt  }
0x58: {  	_ =	shalt  }
0x59: {  	_ =	shalt  }
0x5a: {  	_ =	shalt  }
0x5b: {  	_ =	shalt  }
0x5c: {  	_ =	shalt  }
0x5d: {  	_ =	shalt  }
0x5e: {  	_ =	shalt  }
0x5f: {  	_ =	shalt  }
0x60: {  	_ =	shalt  }
0x61: {  	_ =	shalt  }
0x62: {  	_ =	shalt  }
0x63: {  	_ =	shalt  }
0x64: {  	_ =	shalt  }
0x65: {  	_ =	shalt  }
0x66: {  	_ =	shalt  }
0x67: {  	_ =	shalt  }
0x68: {  	_ =	shalt  }
0x69: {  	_ =	shalt  }
0x6a: {  	_ =	shalt  }
0x6b: {  	_ =	shalt  }
0x6c: {  	_ =	shalt  }
0x6d: {  	_ =	shalt  }
0x6e: {  	_ =	shalt  }
0x6f: {  	_ =	shalt  }
0x70: {  	_ =	shalt  }
0x71: {  	_ =	shalt  }
0x72: {  	_ =	shalt  }
0x73: {  	_ =	shalt  }
0x74: {  	_ =	shalt  }
0x75: {  	_ =	shalt  }
0x76: {  	_ =	shalt  }
0x77: {  	_ =	shalt  }
0x78: {  	_ =	shalt  }
0x79: {  	_ =	shalt  }
0x7a: {  	_ =	shalt  }
0x7b: {  	_ =	shalt  }
0x7c: {  	_ =	shalt  }
0x7d: {  	_ =	shalt  }
0x7e: {  	_ =	shalt  }
0x7f: {  	_ =	shalt  }
0x80: {  	_ =	shalt  }
0x81: {  	_ =	shalt  }
0x82: {  	_ =	shalt  }
0x83: {  	_ =	shalt  }
0x84: {  	_ =	shalt  }
0x85: {  	_ =	shalt  }
0x86: {  	_ =	shalt  }
0x87: {  	_ =	shalt  }
.Lfunc_end0:
.L_simem_size_0:
called_computation.1_lowered:
.L_overlay_start_0:
0x88: {  	s2 =	sld [smem:$0x3FD9]  }
0x89: {  	s3 =	sld [smem:$0x3FFE];
	_ =	sdelay $0x1  }
0x8a: {  	s1 =	srdreg.scid  }
0x8b: {  	s0 =	sand.u32 $0x1, s1  }
0x8c: {  	s17 =	sshll.u32 s0, $0xA;
	s2 =	sadd.s32 s3, s2  }
0x8d: {  	s2 =	sadd.s32 s2, s17  }
0x8e: {  	[smem:$0x3FBE] =	sst s2  }
0x8f: {  	_ = 	snop  }
0x90: {  	s2 =	sld [smem:$0x3FD0];
	(tm) =	ssettm $0x1  }
0x91: {  	s18 =	sld [smem:$0x3FFB];
	_ =	sdelay $0x3  }
0x92: {  	_ =	strace s18  }
0x93: {  	s3 =	sld [smem:$0x3FFC];
	_ =	sdelay $0x3  }
0x94: {  	_ =	strace s3  }
0x95: {  	s3 =	sld [smem:$0x3FFD];
	_ =	sdelay $0x3  }
0x96: {  	_ =	strace s3  }
0x97: {  	_ =	strace $0x8FFFFFFF  }
0x98: {  	s19 =	sld [smem:$0x3FDB];
	_ =	sdelay $0x1  }
0x99: {  	s4 =	simm.s32 $_scs_section_size  }
0x9a: {  	s5 =	simm.s32 $_size__tile_overlayer_lowered;
	s6 =	simm.s32 $_tile_overlayer_lowered  }
0x9b: {  	s22 =	simm.s32 $0x1BFF;
	s21 =	sshll.u32 s6, $0x1;
	s3 =	sadd.s32 s4, s19  }
0x9c: {  	s7 =	simm.s32 $0x0;
	s20 =	sshll.u32 s5, $0x1;
	s5 =	sadd.s32 s21, s3  }
0x9d: {  	[timem:s7], [sflag:s22] =	dma.local [hbm:s5], s20  }
0x9e: {  	_ =	swait.ge [sflag:s22], s20  }
0x9f: {  	s4 =	ssub.s32 $0x0, s20;
	[sflag:s22] =	ssyncset.done $0x0  }
0xa0: {  	[sflag:s22] =	ssyncadd.s32 s4;
	_ =	sdelay $0x1  }
0xa1: {  	s23 =	simm.s32 $0x1B8B  }
0xa2: {  	_ =	swait.ge [sflag:s23], $0x1  }
0xa3: {  	[sflag:s23] =	ssyncset.done $0x0  }
0xa4: {  	s25 =	simm.s32 $0x1B8E;
	s24 =	sld [smem:$0x3FFE];
	[sflag:s23] =	ssyncadd.s32 $0xFFFFFFFF  }
0xa5: {  	s26 =	simm.s32 $execute0_lowered;
	[smem:$0x3FD2] =	sst s25  }
0xa6: {  	s5 =	sshll.u32 s26, $0x1;
	_ =	strace $0x80000049;
	[dreg:$0x1] =	wrdreg $0xFFFFFFFF  }
0xa7: {  	s28 =	simm.s32 $_size_execute0_lowered;
	s3 =	sadd.s32 s3, s5;
	[dreg:$0x0] =	wrdreg $0x0  }
0xa8: {  	s5 =	sshll.u32 s28, $0x1;
	[dreg:$0x2] =	wrdreg s3  }
0xa9: {  	[dreg:$0x3] =	wrdreg s5  }
0xaa: {  	[dreg:$0x4] =	wrdreg $0xC0  }
0xab: {  	_ =	task [dreg:s7], $0x5FFFF  }
0xac: {  	[dreg:$0x1] =	wrdreg $0xFFFFFFFF  }
0xad: {  	[dreg:$0x0] =	wrdreg $0x60  }
0xae: {  	[dreg:$0x2] =	wrdreg s24  }
0xaf: {  	[dreg:$0x3] =	wrdreg s2  }
0xb0: {  	[dreg:$0x4] =	wrdreg $0x33400  }
0xb1: {  	[dreg:$0x5] =	wrdreg $0x9  }
0xb2: {  	_ =	task.clear_ibuf [dreg:s7], $0x6FFFF;
	_ =	strace $0x90000049  }
0xb3: {  	s29 =	simm.s32 $0x9;
	_ =	strace $0x8000004B  }
0xb4: {  	_ =	swait.ge [sflag:s29], $0x1  }
0xb5: {  	[sflag:s29] =	ssyncadd.s32 $0xFFFFFFFF  }
0xb6: {  	_ =	strace $0x9000004B  }
0xb7: {  	_ =	sfence  }
0xb8: {  	s30 =	sld [smem:$0x0];
	_ =	sdelay $0x2  }
0xb9: {  	s31 =	sshll.u32 s1, $0xD;
	s1 =	sshrl.u32 s1, $0x2  }
0xba: {  	s3 =	sand.u32 $0x4000, s31;
	s1 =	sadd.s32 s1, s30  }
0xbb: {  	s0 =	sor.u32 s3, s0;
	s1 =	sshll.u32 s1, $0x11  }
0xbc: {  	s0 =	sor.u32 s1, s0  }
0xbd: {  	s0 =	sadd.s32 $0x8F2B, s0  }
0xbe: {  	[sflag:s0] =	ssyncadd.remote.s32 $0x1  }
0xbf: {  	_ =	sfence.sel $0xFFFF  }
0xc0: {  	[dreg:$0x0] =	wrdreg $0xFFFFFFFF;
	(pc) =	sbr.abs _section_cstart, $3  }
0xc1: {  	[dreg:$0x1] =	wrdreg $0xFFFFFFFF  }
0xc2: {  	_ =	task.clear_ibuf [dreg:s7], $0x2FFFF;
	_ =	strace $0x9FFFFFFF  }
0xc3: {  	(tm) =	ssettm $0x7FFFFFFF  }
tec
execute0_lowered:
.L_overlay_start_1:
0x0: {  	(tag) =	ssettag $0x1  }
0x1: {  	s5 =	rddreg [dreg:$0x0]  }
0x2: {  	s6 =	rddreg [dreg:$0x1]  }
0x3: {  	s2 =	rddreg [dreg:$0x2]  }
0x4: {  	s0 =	rddreg [dreg:$0x3];
	s3 =	srdreg.scid  }
0x5: {  	s1 =	stileid.u32;
	s15 =	simm.s32 $0x1400;
	s16 =	simm.s32 $0x2  }
0x6: {  	s17 =	simm.s32 $0x7D;
	s18 =	simm.s32 $0x1380;
	s19 =	simm.s32 $0x23A0  }
0x7: {  	s20 =	simm.s32 $0x0;
	s7 =	sand.u32 $0x1, s3;
	s8 =	smul.u32 $0x4E20, s1  }
0x8: {  	s4 =	sshll.u32 s1, $0x1;
	s3 =	simm.s32 $0x0;
	s13 =	smul.u32 $0x2710, s1  }
0x9: {  	s30 =	sshll.u32 s1, $0x6;
	s9 =	sor.u32 s7, s4;
	s10 =	smul.u32 $0x4E200, s7  }
0xa: {  	[smem:$0x7FF] =	sst s3;
	s12 =	ssub.s32 $0x2, s7;
	s7 =	smul.u32 $0x1388, s7  }
0xb: {  	s4 =	sadd.s32 $0x2A400, s5;
	s11 =	smul.u32 $0x280, s9;
	_ =	strace $0x8000004A  }
0xc: {  	s28 =	sshrl.u32 s12, $0x1;
	s14 =	sadd.s32 s8, s2;
	s29 =	sshrl.u32 s8, $0x3  }
0xd: {  	s9 =	smul.u32 $0x4E20, s9;
	s10 =	sadd.s32 s8, s10;
	s12 =	ssub.s32 s12, s28  }
0xe: {  	s13 =	sadd.s32 s7, s13;
	s11 =	sadd.s32 s11, s5;
	s10 =	sshrl.u32 s10, $0x3  }
0xf: {  	s8 =	sadd.s32 s4, s9;
	s31 =	sshll.u32 s13, $0x2;
	s13 =	sshrl.u32 s14, $0x3  }
0x10: {  	s14 =	simm.s32 $0x3;
	s10 =	sadd.s32 s10, s5;
	s5 =	sadd.s32 s6, s29  }
0x11: {  	s6 =	sor.u32 $0x1C03, s30;
	s7 =	sadd.s32 $0xCB800, s11;
	s11 =	sadd.s32 $0x1F4, s31  }
0x12: {  	s9 =	sadd.s32 $0xD0800, s10;
	s10 =	smax.u32 s12, $0x1;
	s12 =	sadd.s32 s4, s11  }
.LBB2_1:
0x13: {  	[spmem:s13], [sflag:s6] =	dma.local [hbm:s5], $0x9C4  }
0x14: {  	_ =	swait.ge [sflag:s14], $0x9C4  }
0x15: {  	[sflag:s14] =	ssyncset.done $0x0  }
0x16: {  	[sflag:s14] =	ssyncadd.s32 $0xFFFFF63C  }
0x17: {  	[tilespmem:s3], [sflag:$0x3] =	stream.linear.gather [hbm4b:s7+s3], $0x1400, $0x38;
	[tilespmem:$0x8160] =	vst v63  }
0x18: {  	_ =	swait.ge [sflag:s14], $0x1400  }
0x19: {  	s21 =	sand.u32 $0x1, s3;
	[sflag:s14] =	ssyncset.done $0x0  }
0x1a: {  	p0 =	seq.s32 s21, $0x1;
	[sflag:s14] =	ssyncadd.s32 $0xFFFFEC00  }
0x1b: {  	s21 =	sand.u32 @p0 $0x1FFFFFF8, s11;
	s22 =	simm.s32 @p0 $0x2;
	[bflag:$0x0] =	sbarrier.arrive $0xFFFF  }
0x1c: {  	[tilespmem:s15], [sflag:$0x1] =	stream.linear.gather [hbm4b:s8+s3], $0xFA0, $0x38;
	[tilespmem:$0x8160] =	vst v63  }
0x1d: {  	s23 =	simm.s32 @p0 $0x0;
	s24 =	simm.s32 @p0 $0x1400;
	s21 =	sadd.s32 @p0 s4, s21  }
0x1e: {  	[tilespmem:s24], [sflag:$0x1] =	stream.linear.gather @p0 [hbm4b:s21+s23], $0xFA0, $0x38;
	[tilespmem:$0x8160] =	vst v63  }
0x1f: {  	_ =	swait.ge @p0 [sflag:s22], $0xFA0  }
0x20: {  	s26 =	simm.s32 @!p0 $0x1;
	[sflag:s22] =	ssyncset.done @p0 $0x0  }
0x21: {  	s21 =	simm.s32 @p0 $0x7D;
	[sflag:s22] =	ssyncadd.s32 @p0 $0xFFFFF060;
	s22 =	simm.s32 @p0 $0x23A0  }
0x22: {  	[spmem:s2] =	stream.indirect.scatter.add.f32 @p0 [tilespmem:s22], [sflag:$0x3], $0x20, s3, s21, $0xb8;
	[tilespmem:$0x8160] =	vst v63  }
0x23: {  	s25 =	simm.s32 @!p0 $0x4;
	s21 =	simm.s32 @!p0 $0x0;
	s22 =	simm.s32 @!p0 $0x23A0  }
0x24: {  	[tilespmem:s22], [sflag:$0x2] =	stream.linear.gather @!p0 [hbm4b:s12+s21], $0xFA0, $0x38;
	[tilespmem:$0x8160] =	vst v63  }
0x25: {  	s31 =	simm.s32 $0x1;
	s25 =	simm.s32 @p0 $0x3;
	_ =	swait.ge @!p0 [sflag:s26], $0xFA0  }
0x26: {  	s23 =	simm.s32 $0x2;
	s24 =	sand.u32 $0x1, s31;
	[sflag:s26] =	ssyncset.done @!p0 $0x0  }
0x27: {  	s22 =	simm.s32 @!p0 $0x1400;
	[sflag:s26] =	ssyncadd.s32 @!p0 $0xFFFFF060;
	s26 =	simm.s32 @!p0 $0x7D  }
0x28: {  	[spmem:s2] =	stream.indirect.scatter.add.f32 @!p0 [tilespmem:s22], [sflag:$0x4], $0x20, s3, s26, $0xb8;
	[tilespmem:$0x8160] =	vst v63  }
0x29: {  	s21 =	sadd.s32 $0x1F4, s12;
	s22 =	simm.s32 $0x80;
	_ =	swait.ge [sflag:s25], $0xFA0  }
0x2a: {  	p0 =	seq.s32 s24, $0x1;
	s24 =	sadd.s32 $0x1F4, s11;
	[sflag:s25] =	ssyncset.done $0x0  }
.LBB2_2:
0x2b: {  	s26 =	sand.u32 @p0 $0x1FFFFFF8, s24;
	s28 =	simm.s32 @p0 $0x2;
	[sflag:s25] =	ssyncadd.s32 $0xFFFFF060  }
0x2c: {  	s29 =	simm.s32 @p0 $0x1400;
	s25 =	sadd.s32 @p0 s4, s26;
	s26 =	simm.s32 @p0 $0x0  }
0x2d: {  	[tilespmem:s29], [sflag:$0x1] =	stream.linear.gather @p0 [hbm4b:s25+s26], $0xFA0, $0x38;
	[tilespmem:$0x8160] =	vst v63  }
0x2e: {  	s26 =	smov.u32 s23;
	s23 =	sadd.s32 $0x1, s23;
	_ =	swait.ge @p0 [sflag:s28], $0xFA0  }
0x2f: {  	p1 =	sne.s32 s23, $0x27;
	[sflag:s28] =	ssyncset.done @p0 $0x0  }
0x30: {  	s25 =	simm.s32 @p0 $0x7D;
	[sflag:s28] =	ssyncadd.s32 @p0 $0xFFFFF060;
	s28 =	simm.s32 @p0 $0x23A0  }
0x31: {  	[spmem:s2] =	stream.indirect.scatter.add.f32 @p0 [tilespmem:s28], [sflag:$0x3], $0x20, s22, s25, $0xb8;
	[tilespmem:$0x8160] =	vst v63  }
0x32: {  	s29 =	simm.s32 @!p0 $0x1;
	s25 =	simm.s32 @!p0 $0x0;
	s28 =	simm.s32 @!p0 $0x23A0  }
0x33: {  	[tilespmem:s28], [sflag:$0x2] =	stream.linear.gather @!p0 [hbm4b:s21+s25], $0xFA0, $0x38;
	[tilespmem:$0x8160] =	vst v63  }
0x34: {  	s28 =	simm.s32 @!p0 $0x1400;
	s21 =	sadd.s32 $0x1F4, s21;
	_ =	swait.ge @!p0 [sflag:s29], $0xFA0  }
.Ltmp0:
0x35: {  	s25 =	simm.s32 @!p0 $0x4;
	[sflag:s29] =	ssyncset.done @!p0 $0x0;
	(pc) =	sbr.rel @p1 .LBB2_2-.Ltmp0, $4  }
0x36: {  	s25 =	simm.s32 @p0 $0x3;
	[sflag:s29] =	ssyncadd.s32 @!p0 $0xFFFFF060;
	s29 =	simm.s32 @!p0 $0x7D  }
0x37: {  	[spmem:s2] =	stream.indirect.scatter.add.f32 @!p0 [tilespmem:s28], [sflag:$0x4], $0x20, s22, s29, $0xb8;
	[tilespmem:$0x8160] =	vst v63  }
0x38: {  	s26 =	sand.u32 $0x1, s26;
	s22 =	sadd.s32 $0x80, s22;
	_ =	swait.ge [sflag:s25], $0xFA0  }
0x39: {  	s24 =	sadd.s32 $0x1F4, s24;
	p0 =	seq.s32 s26, $0x1;
	[sflag:s25] =	ssyncset.done $0x0  }
0x3a: {  	s23 =	sand.u32 @p0 $0x1FFFFFF8, s24;
	s24 =	simm.s32 @p0 $0x2;
	[sflag:s25] =	ssyncadd.s32 $0xFFFFF060  }
0x3b: {  	s25 =	simm.s32 @p0 $0x0;
	s26 =	simm.s32 @p0 $0x1400;
	s23 =	sadd.s32 @p0 s4, s23  }
0x3c: {  	[tilespmem:s26], [sflag:$0x1] =	stream.linear.gather @p0 [hbm4b:s23+s25], $0xFA0, $0x38;
	[tilespmem:$0x8160] =	vst v63  }
0x3d: {  	_ =	swait.ge @p0 [sflag:s24], $0xFA0  }
0x3e: {  	[sflag:s24] =	ssyncset.done @p0 $0x0  }
0x3f: {  	s23 =	simm.s32 @p0 $0x7D;
	[sflag:s24] =	ssyncadd.s32 @p0 $0xFFFFF060;
	s24 =	simm.s32 @p0 $0x23A0  }
0x40: {  	[spmem:s2] =	stream.indirect.scatter.add.f32 @p0 [tilespmem:s24], [sflag:$0x3], $0x20, s22, s23, $0xb8;
	[tilespmem:$0x8160] =	vst v63  }
0x41: {  	s25 =	simm.s32 @!p0 $0x1;
	s23 =	simm.s32 @!p0 $0x0;
	s24 =	simm.s32 @!p0 $0x23A0  }
0x42: {  	[tilespmem:s24], [sflag:$0x2] =	stream.linear.gather @!p0 [hbm4b:s21+s23], $0xFA0, $0x38;
	[tilespmem:$0x8160] =	vst v63  }
0x43: {  	_ =	swait.ge @!p0 [sflag:s25], $0xFA0  }
0x44: {  	s21 =	simm.s32 @!p0 $0x1400;
	s23 =	simm.s32 @!p0 $0x4;
	[sflag:s25] =	ssyncset.done @!p0 $0x0  }
0x45: {  	s24 =	simm.s32 @!p0 $0x7D;
	s23 =	simm.s32 @p0 $0x3;
	[sflag:s25] =	ssyncadd.s32 @!p0 $0xFFFFF060  }
0x46: {  	[spmem:s2] =	stream.indirect.scatter.add.f32 @!p0 [tilespmem:s21], [sflag:$0x4], $0x20, s22, s24, $0xb8;
	[tilespmem:$0x8160] =	vst v63  }
0x47: {  	_ =	swait.ge [sflag:s23], $0xFA0  }
0x48: {  	[sflag:s23] =	ssyncset.done $0x0  }
0x49: {  	[sflag:s23] =	ssyncadd.s32 $0xFFFFF060  }
0x4a: {  	_ =	swait.ge [sflag:s16], $0xFA0  }
0x4b: {  	[sflag:s16] =	ssyncset.done $0x0  }
0x4c: {  	[sflag:s16] =	ssyncadd.s32 $0xFFFFF060  }
0x4d: {  	[spmem:s2] =	stream.indirect.scatter.add.f32 [tilespmem:s19], [sflag:$0x3], $0x20, s18, s17, $0xb8;
	[tilespmem:$0x8160] =	vst v63  }
0x4e: {  	_ =	swait.ge [sflag:s14], $0xFA0  }
0x4f: {  	s20 =	sadd.s32 $0x1, s20;
	[sflag:s14] =	ssyncset.done $0x0  }
0x50: {  	p0 =	sne.s32 s20, s10;
	[sflag:s14] =	ssyncadd.s32 $0xFFFFF060  }
.Ltmp1:
0x51: {  	[bflag:$0x0] =	sbarrier.arrive $0xFFFF;
	(pc) =	sbr.rel @p0 .LBB2_1-.Ltmp1, $4  }
0x52: {  	[hbm:s9], [sflag:s6] =	dma.local [spmem:s13], $0x9C4  }
0x53: {  	_ =	swait.ge [sflag:s14], $0x9C4  }
0x54: {  	[sflag:s14] =	ssyncset.done $0x0  }
0x55: {  	[sflag:s14] =	ssyncadd.s32 $0xFFFFF63C  }
0x56: {  	_ =	sfence.sel $0x180000  }
0x57: {  	[bflag:$0x0] =	sbarrier.arrive $0xFFFF  }
0x58: {  	p0 =	sne.s32 s1, $0x0;
	_ =	strace $0x9000004A  }
0x59: {  	s0 =	sadd.s32 @!p0 $0x100000, s0;
	[bflag:$0x2] =	sbarrier.arrive $0xFFFF  }
0x5a: {  	[sflag:s0] =	ssyncadd.tile.s32 @!p0 $0x1;
	_ =	shalt  }
.Lfunc_end2:
_tile_overlayer_lowered:
.L_overlay_start_2:
0x5b: {  	(tag) =	ssettag $0x2  }
0x5c: {  	s0 =	rddreg [dreg:$0x0];
	s2 =	stileid.u32  }
0x5d: {  	s1 =	rddreg [dreg:$0x1];
	p0 =	sne.s32 s2, $0x0  }
0x5e: {  	s3 =	rddreg [dreg:$0x2];
	[bflag:$0x3] =	sbarrier.arrive $0xFFFF;
	s2 =	simm.s32 @!p0 $0x1C03  }
0x5f: {  	[timem:s3], [sflag:s2] =	dma.local @!p0 [hbm:s0], s1  }
0x60: {  	s0 =	simm.s32 @!p0 $0x3  }
0x61: {  	_ =	swait.ge @!p0 [sflag:s0], s1  }
0x62: {  	s1 =	ssub.s32 @!p0 $0x0, s1;
	[sflag:s0] =	ssyncset.done @!p0 $0x0  }
0x63: {  	[sflag:s0] =	ssyncadd.s32 @!p0 s1  }
0x64: {  	[bflag:$0x3] =	sbarrier.arrive $0xFFFF  }
0x65: {  	_ =	shalt  }

</sc_bundles>
